<compile_context>
chip_gen: v7x
topology: tpu7x:2x2x1
jax: 0.10.2.dev20260603
libtpu: 0.0.44.dev20260713+nightly
codegen_flags: <defaults>
</compile_context>

<pallas_src>
import functools

import jax
import jax.numpy as jnp
from jax import lax
from jax.experimental import pallas as pl
from jax.experimental.pallas import tpu as pltpu
from jax.experimental.pallas import tpu_sc as plsc

_NUM_CORES = 2
_NUM_SUBCORES = 16
_NW = _NUM_CORES * _NUM_SUBCORES
_CHUNK = 128
_DP = 128
_NBUF = 5


def _gather_call(idx, table_pad, n_ch):
    N = _NW * n_ch * _CHUNK
    mesh = plsc.VectorSubcoreMesh(core_axis_name="c", subcore_axis_name="s")

    @functools.partial(
        pl.kernel,
        mesh=mesh,
        out_type=jax.ShapeDtypeStruct((N, _DP), jnp.float32),
        scratch_types=[
            pltpu.VMEM((n_ch, _CHUNK), jnp.int32),
            pltpu.VMEM((_NBUF, _CHUNK, _DP), jnp.float32),
            pltpu.SemaphoreType.DMA((_NBUF,)),
            pltpu.SemaphoreType.DMA((_NBUF,)),
        ],
    )
    def run(idx_hbm, table_hbm, out_hbm, idx_v, rows_v, gsem, wsem):
        wid = lax.axis_index("s") * _NUM_CORES + lax.axis_index("c")
        base = wid * (n_ch * _CHUNK)
        pltpu.sync_copy(idx_hbm.at[wid], idx_v)

        def gather(j, b):
            pltpu.async_copy(table_hbm.at[idx_v.at[j]], rows_v.at[b], gsem.at[b])

        def gather_wait(j, b):
            pltpu.make_async_copy(
                table_hbm.at[idx_v.at[j]], rows_v.at[b], gsem.at[b]
            ).wait()

        def write(j, b):
            pltpu.async_copy(
                rows_v.at[b],
                out_hbm.at[pl.ds(base + j * _CHUNK, _CHUNK)],
                wsem.at[b],
            )

        def write_wait(j, b):
            pltpu.make_async_copy(
                rows_v.at[b],
                out_hbm.at[pl.ds(base + j * _CHUNK, _CHUNK)],
                wsem.at[b],
            ).wait()

        for b in range(_NBUF):
            gather(b, b)

        def body(g, carry):
            j_prev = (g - 1) * _NBUF
            j_next = g * _NBUF
            for b in range(_NBUF):
                gather_wait(j_prev + b, b)
                write(j_prev + b, b)
            for b in range(_NBUF):
                write_wait(j_prev + b, b)
                gather(j_next + b, b)
            return carry

        lax.fori_loop(1, n_ch // _NBUF, body, 0)

        j_last = n_ch - _NBUF
        for b in range(_NBUF):
            gather_wait(j_last + b, b)
            write(j_last + b, b)
        for b in range(_NBUF):
            write_wait(j_last + b, b)

    return run(idx, table_pad)


def _transpose_pad_tc(tT, Vp):
    D, V = tT.shape
    BC = 8192

    def body(x_ref, o_ref):
        o_ref[:, :D] = x_ref[...].T
        o_ref[:, D:] = jnp.zeros((BC, _DP - D), jnp.float32)

    return pl.pallas_call(
        body,
        grid=(pl.cdiv(Vp, BC),),
        in_specs=[pl.BlockSpec((D, BC), lambda i: (0, i))],
        out_specs=pl.BlockSpec((BC, _DP), lambda i: (i, 0)),
        out_shape=jax.ShapeDtypeStruct((Vp, _DP), jnp.float32),
    )(tT)


def kernel(doc_batch, table):
    B, S = doc_batch.shape
    V, D = table.shape
    N = B * S
    n_ch = N // (_NW * _CHUNK)
    idx = doc_batch.astype(jnp.int32).reshape(_NW, n_ch, _CHUNK)
    Vp = V + ((-V) % 8)
    table_pad = _transpose_pad_tc(table.T, Vp)
    out = _gather_call(idx, table_pad, n_ch)
    return out.reshape(B, S, _DP)[:, :, :D]

# --- scband reference (transcript-rebuilt; emitter-appended) ---
"""Pipeline reference for scband-encoder-18691697672503 (READ-ONLY COPY).

The authoritative reference and input builder live on the scoring server;
editing this copy changes nothing except your own understanding.
"""

import jax, jax.numpy as jnp
import numpy as np

VOCAB_SIZE = 100000  # const.VOCAB_SIZE
EMBED_DIM = 100
BATCH = 4096
SEQ = 200


def setup_inputs(seed: int = 0) -> dict:
    key = jax.random.key(seed)
    k1, k2 = jax.random.split(key)
    doc_batch = jax.random.randint(k1, (BATCH, SEQ), 0, VOCAB_SIZE)
    # Embedding table of shape [VOCAB_SIZE + 1, EMBED_DIM], padding_idx = 0
    table = jax.random.normal(k2, (VOCAB_SIZE + 1, EMBED_DIM), dtype=jnp.float32)
    table = table.at[0].set(0.0)  # padding row zeroed, matching nn.Embedding(padding_idx=0)
    return {"doc_batch": doc_batch, "table": table}


def reference(doc_batch, table):
    # forward: doc_embedding = self.embed(doc_batch); return self.encode(doc_embedding)
    # encode() is abstract in the original class; identity is used as the concrete
    # encode so the benchmark isolates the embedding-lookup kernel.
    doc_embedding = jnp.take(table, doc_batch, axis=0)
    return doc_embedding

if __name__ == "__main__":
    import jax
    _d = setup_inputs()
    print(jax.jit(kernel)(*tuple(_d.values())))

</pallas_src>

<mosaic_0001>
#map = affine_map<(d0, d1) -> (0, 0, 0)>
#map1 = affine_map<(d0, d1) -> (0, 0)>
module attributes {stable_mosaic.version = 14 : i64} {
  func.func @run(%arg0: i32, %arg1: i32, %arg2: memref<32x200x128xi32, #tpu.memory_space<hbm>>, %arg3: memref<100008x128xf32, #tpu.memory_space<hbm>>, %arg4: memref<819200x128xf32, #tpu.memory_space<hbm>>, %arg5: memref<200x128xi32, #tpu.memory_space<vmem>>, %arg6: memref<5x128x128xf32, #tpu.memory_space<vmem>>, %arg7: memref<5x!tpu.dma_semaphore, #tpu.memory_space<semaphore_mem>>, %arg8: memref<5x!tpu.dma_semaphore, #tpu.memory_space<semaphore_mem>>) attributes {dimension_semantics = [#tpu.dimension_semantics<core_parallel>, #tpu.dimension_semantics<subcore_parallel>], iteration_bounds = array<i64: 2, 16>, scalar_prefetch = 0 : i64, scratch_operands = 4 : i64, tpu.core_type = #tpu.core_type<sc_vector_subcore>, window_params = [{transform_indices = #map}, {transform_indices = #map1}, {transform_indices = #map1}]} {
    %mul3A = arith.constant 2 : i32
    %mul3A_0 = arith.muli %arg1, %mul3A : i32
    %add3A = arith.addi %mul3A_0, %arg0 : i32
    %mul3A_1 = arith.constant 25600 : i32
    %mul3A_2 = arith.muli %add3A, %mul3A_1 : i32
    "tpu.region"() ({
      %run_scoped3A = tpu.sem_alloc : memref<!tpu.dma_semaphore, #tpu.memory_space<semaphore_mem>>
      %dma_start3A_336 = arith.constant 0 : i32
      %dma_start3A_337 = arith.constant 0 : i32
      %dma_start3A_338 = tpu.memref_slice %arg2[%add3A, %dma_start3A_336, %dma_start3A_337] : memref<32x200x128xi32, #tpu.memory_space<hbm>> -> memref<1x200x128xi32, #tpu.memory_space<hbm>>
      %dma_start3A_339 = tpu.memref_squeeze %dma_start3A_338 : memref<1x200x128xi32, #tpu.memory_space<hbm>> -> memref<200x128xi32, #tpu.memory_space<hbm>>
      %dma_start3A_340 = arith.constant 0 : i32
      %dma_start3A_341 = arith.constant 0 : i32
      %dma_start3A_342 = tpu.memref_slice %arg2[%add3A, %dma_start3A_340, %dma_start3A_341] : memref<32x200x128xi32, #tpu.memory_space<hbm>> -> memref<1x200x128xi32, #tpu.memory_space<hbm>>
      %dma_start3A_343 = tpu.memref_squeeze %dma_start3A_342 : memref<1x200x128xi32, #tpu.memory_space<hbm>> -> memref<200x128xi32, #tpu.memory_space<hbm>>
      tpu.enqueue_dma source(%dma_start3A_343 : memref<200x128xi32, #tpu.memory_space<hbm>>) target(%arg5 : memref<200x128xi32, #tpu.memory_space<vmem>>) target_semaphore(%run_scoped3A : memref<!tpu.dma_semaphore, #tpu.memory_space<semaphore_mem>>)
      %dma_wait3A_344 = arith.constant 0 : i32
      %dma_wait3A_345 = arith.constant 0 : i32
      %dma_wait3A_346 = tpu.memref_slice %arg2[%add3A, %dma_wait3A_344, %dma_wait3A_345] : memref<32x200x128xi32, #tpu.memory_space<hbm>> -> memref<1x200x128xi32, #tpu.memory_space<hbm>>
      %dma_wait3A_347 = tpu.memref_squeeze %dma_wait3A_346 : memref<1x200x128xi32, #tpu.memory_space<hbm>> -> memref<200x128xi32, #tpu.memory_space<hbm>>
      %dma_wait3A_348 = arith.constant 0 : i32
      %dma_wait3A_349 = arith.constant 0 : i32
      %dma_wait3A_350 = tpu.memref_slice %arg2[%add3A, %dma_wait3A_348, %dma_wait3A_349] : memref<32x200x128xi32, #tpu.memory_space<hbm>> -> memref<1x200x128xi32, #tpu.memory_space<hbm>>
      %dma_wait3A_351 = tpu.memref_squeeze %dma_wait3A_350 : memref<1x200x128xi32, #tpu.memory_space<hbm>> -> memref<200x128xi32, #tpu.memory_space<hbm>>
      tpu.wait_dma2 semaphore(%run_scoped3A : memref<!tpu.dma_semaphore, #tpu.memory_space<semaphore_mem>>) src(%dma_wait3A_351 : memref<200x128xi32, #tpu.memory_space<hbm>>) dst(%arg5 : memref<200x128xi32, #tpu.memory_space<vmem>>)
      tpu.yield
    }) : () -> ()
    %dma_start3A = arith.constant 0 : i32
    %dma_start3A_3 = arith.constant 0 : i32
    %dma_start3A_4 = arith.constant 0 : i32
    %dma_start3A_5 = arith.constant 0 : i32
    %dma_start3A_6 = arith.constant 0 : i32
    %dma_start3A_7 = tpu.memref_slice %arg6[%dma_start3A_3, %dma_start3A_5, %dma_start3A_6] : memref<5x128x128xf32, #tpu.memory_space<vmem>> -> memref<1x128x128xf32, #tpu.memory_space<vmem>>
    %dma_start3A_8 = tpu.memref_squeeze %dma_start3A_7 : memref<1x128x128xf32, #tpu.memory_space<vmem>> -> memref<128x128xf32, #tpu.memory_space<vmem>>
    %dma_start3A_9 = arith.constant 0 : i32
    %dma_start3A_10 = tpu.memref_slice %arg5[%dma_start3A, %dma_start3A_9] : memref<200x128xi32, #tpu.memory_space<vmem>> -> memref<1x128xi32, #tpu.memory_space<vmem>>
    %dma_start3A_11 = tpu.memref_squeeze %dma_start3A_10 : memref<1x128xi32, #tpu.memory_space<vmem>> -> memref<128xi32, #tpu.memory_space<vmem>>
    %dma_start3A_12 = arith.constant 0 : i32
    %dma_start3A_13 = arith.constant 0 : i32
    %dma_start3A_14 = tpu.memref_slice %arg3[%dma_start3A_12, %dma_start3A_13] : memref<100008x128xf32, #tpu.memory_space<hbm>> -> memref<100008x128xf32, #tpu.memory_space<hbm>>
    %dma_start3A_15 = tpu.memref_slice %arg7[%dma_start3A_4] : memref<5x!tpu.dma_semaphore, #tpu.memory_space<semaphore_mem>> -> memref<1x!tpu.dma_semaphore, #tpu.memory_space<semaphore_mem>>
    %dma_start3A_16 = tpu.memref_squeeze %dma_start3A_15 : memref<1x!tpu.dma_semaphore, #tpu.memory_space<semaphore_mem>> -> memref<!tpu.dma_semaphore, #tpu.memory_space<semaphore_mem>>
    tpu.enqueue_indirect_dma source(%dma_start3A_14 : memref<100008x128xf32, #tpu.memory_space<hbm>>) target(%dma_start3A_8 : memref<128x128xf32, #tpu.memory_space<vmem>>) offsets(%dma_start3A_11 : memref<128xi32, #tpu.memory_space<vmem>>) semaphore(%dma_start3A_16 : memref<!tpu.dma_semaphore, #tpu.memory_space<semaphore_mem>>)
    %dma_start3A_17 = arith.constant 1 : i32
    %dma_start3A_18 = arith.constant 1 : i32
    %dma_start3A_19 = arith.constant 1 : i32
    %dma_start3A_20 = arith.constant 0 : i32
    %dma_start3A_21 = arith.constant 0 : i32
    %dma_start3A_22 = tpu.memref_slice %arg6[%dma_start3A_18, %dma_start3A_20, %dma_start3A_21] : memref<5x128x128xf32, #tpu.memory_space<vmem>> -> memref<1x128x128xf32, #tpu.memory_space<vmem>>
    %dma_start3A_23 = tpu.memref_squeeze %dma_start3A_22 : memref<1x128x128xf32, #tpu.memory_space<vmem>> -> memref<128x128xf32, #tpu.memory_space<vmem>>
    %dma_start3A_24 = arith.constant 0 : i32
    %dma_start3A_25 = tpu.memref_slice %arg5[%dma_start3A_17, %dma_start3A_24] : memref<200x128xi32, #tpu.memory_space<vmem>> -> memref<1x128xi32, #tpu.memory_space<vmem>>
    %dma_start3A_26 = tpu.memref_squeeze %dma_start3A_25 : memref<1x128xi32, #tpu.memory_space<vmem>> -> memref<128xi32, #tpu.memory_space<vmem>>
    %dma_start3A_27 = arith.constant 0 : i32
    %dma_start3A_28 = arith.constant 0 : i32
    %dma_start3A_29 = tpu.memref_slice %arg3[%dma_start3A_27, %dma_start3A_28] : memref<100008x128xf32, #tpu.memory_space<hbm>> -> memref<100008x128xf32, #tpu.memory_space<hbm>>
    %dma_start3A_30 = tpu.memref_slice %arg7[%dma_start3A_19] : memref<5x!tpu.dma_semaphore, #tpu.memory_space<semaphore_mem>> -> memref<1x!tpu.dma_semaphore, #tpu.memory_space<semaphore_mem>>
    %dma_start3A_31 = tpu.memref_squeeze %dma_start3A_30 : memref<1x!tpu.dma_semaphore, #tpu.memory_space<semaphore_mem>> -> memref<!tpu.dma_semaphore, #tpu.memory_space<semaphore_mem>>
    tpu.enqueue_indirect_dma source(%dma_start3A_29 : memref<100008x128xf32, #tpu.memory_space<hbm>>) target(%dma_start3A_23 : memref<128x128xf32, #tpu.memory_space<vmem>>) offsets(%dma_start3A_26 : memref<128xi32, #tpu.memory_space<vmem>>) semaphore(%dma_start3A_31 : memref<!tpu.dma_semaphore, #tpu.memory_space<semaphore_mem>>)
    %dma_start3A_32 = arith.constant 2 : i32
    %dma_start3A_33 = arith.constant 2 : i32
    %dma_start3A_34 = arith.constant 2 : i32
    %dma_start3A_35 = arith.constant 0 : i32
    %dma_start3A_36 = arith.constant 0 : i32
    %dma_start3A_37 = tpu.memref_slice %arg6[%dma_start3A_33, %dma_start3A_35, %dma_start3A_36] : memref<5x128x128xf32, #tpu.memory_space<vmem>> -> memref<1x128x128xf32, #tpu.memory_space<vmem>>
    %dma_start3A_38 = tpu.memref_squeeze %dma_start3A_37 : memref<1x128x128xf32, #tpu.memory_space<vmem>> -> memref<128x128xf32, #tpu.memory_space<vmem>>
    %dma_start3A_39 = arith.constant 0 : i32
    %dma_start3A_40 = tpu.memref_slice %arg5[%dma_start3A_32, %dma_start3A_39] : memref<200x128xi32, #tpu.memory_space<vmem>> -> memref<1x128xi32, #tpu.memory_space<vmem>>
    %dma_start3A_41 = tpu.memref_squeeze %dma_start3A_40 : memref<1x128xi32, #tpu.memory_space<vmem>> -> memref<128xi32, #tpu.memory_space<vmem>>
    %dma_start3A_42 = arith.constant 0 : i32
    %dma_start3A_43 = arith.constant 0 : i32
    %dma_start3A_44 = tpu.memref_slice %arg3[%dma_start3A_42, %dma_start3A_43] : memref<100008x128xf32, #tpu.memory_space<hbm>> -> memref<100008x128xf32, #tpu.memory_space<hbm>>
    %dma_start3A_45 = tpu.memref_slice %arg7[%dma_start3A_34] : memref<5x!tpu.dma_semaphore, #tpu.memory_space<semaphore_mem>> -> memref<1x!tpu.dma_semaphore, #tpu.memory_space<semaphore_mem>>
    %dma_start3A_46 = tpu.memref_squeeze %dma_start3A_45 : memref<1x!tpu.dma_semaphore, #tpu.memory_space<semaphore_mem>> -> memref<!tpu.dma_semaphore, #tpu.memory_space<semaphore_mem>>
    tpu.enqueue_indirect_dma source(%dma_start3A_44 : memref<100008x128xf32, #tpu.memory_space<hbm>>) target(%dma_start3A_38 : memref<128x128xf32, #tpu.memory_space<vmem>>) offsets(%dma_start3A_41 : memref<128xi32, #tpu.memory_space<vmem>>) semaphore(%dma_start3A_46 : memref<!tpu.dma_semaphore, #tpu.memory_space<semaphore_mem>>)
    %dma_start3A_47 = arith.constant 3 : i32
    %dma_start3A_48 = arith.constant 3 : i32
    %dma_start3A_49 = arith.constant 3 : i32
    %dma_start3A_50 = arith.constant 0 : i32
    %dma_start3A_51 = arith.constant 0 : i32
    %dma_start3A_52 = tpu.memref_slice %arg6[%dma_start3A_48, %dma_start3A_50, %dma_start3A_51] : memref<5x128x128xf32, #tpu.memory_space<vmem>> -> memref<1x128x128xf32, #tpu.memory_space<vmem>>
    %dma_start3A_53 = tpu.memref_squeeze %dma_start3A_52 : memref<1x128x128xf32, #tpu.memory_space<vmem>> -> memref<128x128xf32, #tpu.memory_space<vmem>>
    %dma_start3A_54 = arith.constant 0 : i32
    %dma_start3A_55 = tpu.memref_slice %arg5[%dma_start3A_47, %dma_start3A_54] : memref<200x128xi32, #tpu.memory_space<vmem>> -> memref<1x128xi32, #tpu.memory_space<vmem>>
    %dma_start3A_56 = tpu.memref_squeeze %dma_start3A_55 : memref<1x128xi32, #tpu.memory_space<vmem>> -> memref<128xi32, #tpu.memory_space<vmem>>
    %dma_start3A_57 = arith.constant 0 : i32
    %dma_start3A_58 = arith.constant 0 : i32
    %dma_start3A_59 = tpu.memref_slice %arg3[%dma_start3A_57, %dma_start3A_58] : memref<100008x128xf32, #tpu.memory_space<hbm>> -> memref<100008x128xf32, #tpu.memory_space<hbm>>
    %dma_start3A_60 = tpu.memref_slice %arg7[%dma_start3A_49] : memref<5x!tpu.dma_semaphore, #tpu.memory_space<semaphore_mem>> -> memref<1x!tpu.dma_semaphore, #tpu.memory_space<semaphore_mem>>
    %dma_start3A_61 = tpu.memref_squeeze %dma_start3A_60 : memref<1x!tpu.dma_semaphore, #tpu.memory_space<semaphore_mem>> -> memref<!tpu.dma_semaphore, #tpu.memory_space<semaphore_mem>>
    tpu.enqueue_indirect_dma source(%dma_start3A_59 : memref<100008x128xf32, #tpu.memory_space<hbm>>) target(%dma_start3A_53 : memref<128x128xf32, #tpu.memory_space<vmem>>) offsets(%dma_start3A_56 : memref<128xi32, #tpu.memory_space<vmem>>) semaphore(%dma_start3A_61 : memref<!tpu.dma_semaphore, #tpu.memory_space<semaphore_mem>>)
    %dma_start3A_62 = arith.constant 4 : i32
    %dma_start3A_63 = arith.constant 4 : i32
    %dma_start3A_64 = arith.constant 4 : i32
    %dma_start3A_65 = arith.constant 0 : i32
    %dma_start3A_66 = arith.constant 0 : i32
    %dma_start3A_67 = tpu.memref_slice %arg6[%dma_start3A_63, %dma_start3A_65, %dma_start3A_66] : memref<5x128x128xf32, #tpu.memory_space<vmem>> -> memref<1x128x128xf32, #tpu.memory_space<vmem>>
    %dma_start3A_68 = tpu.memref_squeeze %dma_start3A_67 : memref<1x128x128xf32, #tpu.memory_space<vmem>> -> memref<128x128xf32, #tpu.memory_space<vmem>>
    %dma_start3A_69 = arith.constant 0 : i32
    %dma_start3A_70 = tpu.memref_slice %arg5[%dma_start3A_62, %dma_start3A_69] : memref<200x128xi32, #tpu.memory_space<vmem>> -> memref<1x128xi32, #tpu.memory_space<vmem>>
    %dma_start3A_71 = tpu.memref_squeeze %dma_start3A_70 : memref<1x128xi32, #tpu.memory_space<vmem>> -> memref<128xi32, #tpu.memory_space<vmem>>
    %dma_start3A_72 = arith.constant 0 : i32
    %dma_start3A_73 = arith.constant 0 : i32
    %dma_start3A_74 = tpu.memref_slice %arg3[%dma_start3A_72, %dma_start3A_73] : memref<100008x128xf32, #tpu.memory_space<hbm>> -> memref<100008x128xf32, #tpu.memory_space<hbm>>
    %dma_start3A_75 = tpu.memref_slice %arg7[%dma_start3A_64] : memref<5x!tpu.dma_semaphore, #tpu.memory_space<semaphore_mem>> -> memref<1x!tpu.dma_semaphore, #tpu.memory_space<semaphore_mem>>
    %dma_start3A_76 = tpu.memref_squeeze %dma_start3A_75 : memref<1x!tpu.dma_semaphore, #tpu.memory_space<semaphore_mem>> -> memref<!tpu.dma_semaphore, #tpu.memory_space<semaphore_mem>>
    tpu.enqueue_indirect_dma source(%dma_start3A_74 : memref<100008x128xf32, #tpu.memory_space<hbm>>) target(%dma_start3A_68 : memref<128x128xf32, #tpu.memory_space<vmem>>) offsets(%dma_start3A_71 : memref<128xi32, #tpu.memory_space<vmem>>) semaphore(%dma_start3A_76 : memref<!tpu.dma_semaphore, #tpu.memory_space<semaphore_mem>>)
    %scan3A = arith.constant 0 : i32
    %scan3A_77 = arith.constant 1 : i32
    %scan3A_78 = arith.constant 39 : i32
    %scan3A_79 = arith.addi %scan3A_77, %scan3A_78 : i32
    %scan3A_80 = arith.constant 1 : i32
    scf.for %scan3A_336 = %scan3A_77 to %scan3A_79 step %scan3A_80  : i32 {
      %sub3A = arith.constant 1 : i32
      %sub3A_337 = arith.subi %scan3A_336, %sub3A : i32
      %mul3A_338 = arith.constant 5 : i32
      %mul3A_339 = arith.muli %sub3A_337, %mul3A_338 : i32
      %mul3A_340 = arith.constant 5 : i32
      %mul3A_341 = arith.muli %scan3A_336, %mul3A_340 : i32
      %add3A_342 = arith.constant 0 : i32
      %add3A_343 = arith.addi %mul3A_339, %add3A_342 : i32
      %dma_wait3A_344 = arith.constant 0 : i32
      %dma_wait3A_345 = arith.constant 0 : i32
      %dma_wait3A_346 = arith.constant 0 : i32
      %dma_wait3A_347 = arith.constant 0 : i32
      %dma_wait3A_348 = tpu.memref_slice %arg6[%dma_wait3A_344, %dma_wait3A_346, %dma_wait3A_347] : memref<5x128x128xf32, #tpu.memory_space<vmem>> -> memref<1x128x128xf32, #tpu.memory_space<vmem>>
      %dma_wait3A_349 = tpu.memref_squeeze %dma_wait3A_348 : memref<1x128x128xf32, #tpu.memory_space<vmem>> -> memref<128x128xf32, #tpu.memory_space<vmem>>
      %dma_wait3A_350 = arith.constant 0 : i32
      %dma_wait3A_351 = tpu.memref_slice %arg5[%add3A_343, %dma_wait3A_350] : memref<200x128xi32, #tpu.memory_space<vmem>> -> memref<1x128xi32, #tpu.memory_space<vmem>>
      %dma_wait3A_352 = tpu.memref_squeeze %dma_wait3A_351 : memref<1x128xi32, #tpu.memory_space<vmem>> -> memref<128xi32, #tpu.memory_space<vmem>>
      %dma_wait3A_353 = arith.constant 0 : i32
      %dma_wait3A_354 = arith.constant 0 : i32
      %dma_wait3A_355 = tpu.memref_slice %arg3[%dma_wait3A_353, %dma_wait3A_354] : memref<100008x128xf32, #tpu.memory_space<hbm>> -> memref<100008x128xf32, #tpu.memory_space<hbm>>
      %dma_wait3A_356 = tpu.memref_slice %arg7[%dma_wait3A_345] : memref<5x!tpu.dma_semaphore, #tpu.memory_space<semaphore_mem>> -> memref<1x!tpu.dma_semaphore, #tpu.memory_space<semaphore_mem>>
      %dma_wait3A_357 = tpu.memref_squeeze %dma_wait3A_356 : memref<1x!tpu.dma_semaphore, #tpu.memory_space<semaphore_mem>> -> memref<!tpu.dma_semaphore, #tpu.memory_space<semaphore_mem>>
      tpu.wait_indirect_dma semaphore(%dma_wait3A_357 : memref<!tpu.dma_semaphore, #tpu.memory_space<semaphore_mem>>) src(%dma_wait3A_355 : memref<100008x128xf32, #tpu.memory_space<hbm>>) dst(%dma_wait3A_349 : memref<128x128xf32, #tpu.memory_space<vmem>>)
      %add3A_358 = arith.constant 0 : i32
      %add3A_359 = arith.addi %mul3A_339, %add3A_358 : i32
      %mul3A_360 = arith.constant 128 : i32
      %mul3A_361 = arith.muli %add3A_359, %mul3A_360 : i32
      %add3A_362 = arith.addi %mul3A_2, %mul3A_361 : i32
      %dma_start3A_363 = arith.constant 0 : i32
      %dma_start3A_364 = arith.constant 0 : i32
      %dma_start3A_365 = arith.constant 0 : i32
      %dma_start3A_366 = arith.constant 0 : i32
      %dma_start3A_367 = tpu.memref_slice %arg6[%dma_start3A_363, %dma_start3A_365, %dma_start3A_366] : memref<5x128x128xf32, #tpu.memory_space<vmem>> -> memref<1x128x128xf32, #tpu.memory_space<vmem>>
      %dma_start3A_368 = tpu.memref_squeeze %dma_start3A_367 : memref<1x128x128xf32, #tpu.memory_space<vmem>> -> memref<128x128xf32, #tpu.memory_space<vmem>>
      %dma_start3A_369 = arith.constant 0 : i32
      %dma_start3A_370 = tpu.memref_slice %arg4[%add3A_362, %dma_start3A_369] : memref<819200x128xf32, #tpu.memory_space<hbm>> -> memref<128x128xf32, #tpu.memory_space<hbm>>
      %dma_start3A_371 = tpu.memref_slice %arg8[%dma_start3A_364] : memref<5x!tpu.dma_semaphore, #tpu.memory_space<semaphore_mem>> -> memref<1x!tpu.dma_semaphore, #tpu.memory_space<semaphore_mem>>
      %dma_start3A_372 = tpu.memref_squeeze %dma_start3A_371 : memref<1x!tpu.dma_semaphore, #tpu.memory_space<semaphore_mem>> -> memref<!tpu.dma_semaphore, #tpu.memory_space<semaphore_mem>>
      %dma_start3A_373 = arith.constant 0 : i32
      %dma_start3A_374 = tpu.memref_slice %arg4[%add3A_362, %dma_start3A_373] : memref<819200x128xf32, #tpu.memory_space<hbm>> -> memref<128x128xf32, #tpu.memory_space<hbm>>
      %dma_start3A_375 = arith.constant 0 : i32
      %dma_start3A_376 = arith.constant 0 : i32
      %dma_start3A_377 = tpu.memref_slice %arg6[%dma_start3A_363, %dma_start3A_375, %dma_start3A_376] : memref<5x128x128xf32, #tpu.memory_space<vmem>> -> memref<1x128x128xf32, #tpu.memory_space<vmem>>
      %dma_start3A_378 = tpu.memref_squeeze %dma_start3A_377 : memref<1x128x128xf32, #tpu.memory_space<vmem>> -> memref<128x128xf32, #tpu.memory_space<vmem>>
      tpu.enqueue_dma source(%dma_start3A_378 : memref<128x128xf32, #tpu.memory_space<vmem>>) target(%dma_start3A_374 : memref<128x128xf32, #tpu.memory_space<hbm>>) target_semaphore(%dma_start3A_372 : memref<!tpu.dma_semaphore, #tpu.memory_space<semaphore_mem>>)
      %add3A_379 = arith.constant 1 : i32
      %add3A_380 = arith.addi %mul3A_339, %add3A_379 : i32
      %dma_wait3A_381 = arith.constant 1 : i32
      %dma_wait3A_382 = arith.constant 1 : i32
      %dma_wait3A_383 = arith.constant 0 : i32
      %dma_wait3A_384 = arith.constant 0 : i32
      %dma_wait3A_385 = tpu.memref_slice %arg6[%dma_wait3A_381, %dma_wait3A_383, %dma_wait3A_384] : memref<5x128x128xf32, #tpu.memory_space<vmem>> -> memref<1x128x128xf32, #tpu.memory_space<vmem>>
      %dma_wait3A_386 = tpu.memref_squeeze %dma_wait3A_385 : memref<1x128x128xf32, #tpu.memory_space<vmem>> -> memref<128x128xf32, #tpu.memory_space<vmem>>
      %dma_wait3A_387 = arith.constant 0 : i32
      %dma_wait3A_388 = tpu.memref_slice %arg5[%add3A_380, %dma_wait3A_387] : memref<200x128xi32, #tpu.memory_space<vmem>> -> memref<1x128xi32, #tpu.memory_space<vmem>>
      %dma_wait3A_389 = tpu.memref_squeeze %dma_wait3A_388 : memref<1x128xi32, #tpu.memory_space<vmem>> -> memref<128xi32, #tpu.memory_space<vmem>>
      %dma_wait3A_390 = arith.constant 0 : i32
      %dma_wait3A_391 = arith.constant 0 : i32
      %dma_wait3A_392 = tpu.memref_slice %arg3[%dma_wait3A_390, %dma_wait3A_391] : memref<100008x128xf32, #tpu.memory_space<hbm>> -> memref<100008x128xf32, #tpu.memory_space<hbm>>
      %dma_wait3A_393 = tpu.memref_slice %arg7[%dma_wait3A_382] : memref<5x!tpu.dma_semaphore, #tpu.memory_space<semaphore_mem>> -> memref<1x!tpu.dma_semaphore, #tpu.memory_space<semaphore_mem>>
      %dma_wait3A_394 = tpu.memref_squeeze %dma_wait3A_393 : memref<1x!tpu.dma_semaphore, #tpu.memory_space<semaphore_mem>> -> memref<!tpu.dma_semaphore, #tpu.memory_space<semaphore_mem>>
      tpu.wait_indirect_dma semaphore(%dma_wait3A_394 : memref<!tpu.dma_semaphore, #tpu.memory_space<semaphore_mem>>) src(%dma_wait3A_392 : memref<100008x128xf32, #tpu.memory_space<hbm>>) dst(%dma_wait3A_386 : memref<128x128xf32, #tpu.memory_space<vmem>>)
      %add3A_395 = arith.constant 1 : i32
      %add3A_396 = arith.addi %mul3A_339, %add3A_395 : i32
      %mul3A_397 = arith.constant 128 : i32
      %mul3A_398 = arith.muli %add3A_396, %mul3A_397 : i32
      %add3A_399 = arith.addi %mul3A_2, %mul3A_398 : i32
      %dma_start3A_400 = arith.constant 1 : i32
      %dma_start3A_401 = arith.constant 1 : i32
      %dma_start3A_402 = arith.constant 0 : i32
      %dma_start3A_403 = arith.constant 0 : i32
      %dma_start3A_404 = tpu.memref_slice %arg6[%dma_start3A_400, %dma_start3A_402, %dma_start3A_403] : memref<5x128x128xf32, #tpu.memory_space<vmem>> -> memref<1x128x128xf32, #tpu.memory_space<vmem>>
      %dma_start3A_405 = tpu.memref_squeeze %dma_start3A_404 : memref<1x128x128xf32, #tpu.memory_space<vmem>> -> memref<128x128xf32, #tpu.memory_space<vmem>>
      %dma_start3A_406 = arith.constant 0 : i32
      %dma_start3A_407 = tpu.memref_slice %arg4[%add3A_399, %dma_start3A_406] : memref<819200x128xf32, #tpu.memory_space<hbm>> -> memref<128x128xf32, #tpu.memory_space<hbm>>
      %dma_start3A_408 = tpu.memref_slice %arg8[%dma_start3A_401] : memref<5x!tpu.dma_semaphore, #tpu.memory_space<semaphore_mem>> -> memref<1x!tpu.dma_semaphore, #tpu.memory_space<semaphore_mem>>
      %dma_start3A_409 = tpu.memref_squeeze %dma_start3A_408 : memref<1x!tpu.dma_semaphore, #tpu.memory_space<semaphore_mem>> -> memref<!tpu.dma_semaphore, #tpu.memory_space<semaphore_mem>>
      %dma_start3A_410 = arith.constant 0 : i32
      %dma_start3A_411 = tpu.memref_slice %arg4[%add3A_399, %dma_start3A_410] : memref<819200x128xf32, #tpu.memory_space<hbm>> -> memref<128x128xf32, #tpu.memory_space<hbm>>
      %dma_start3A_412 = arith.constant 0 : i32
      %dma_start3A_413 = arith.constant 0 : i32
      %dma_start3A_414 = tpu.memref_slice %arg6[%dma_start3A_400, %dma_start3A_412, %dma_start3A_413] : memref<5x128x128xf32, #tpu.memory_space<vmem>> -> memref<1x128x128xf32, #tpu.memory_space<vmem>>
      %dma_start3A_415 = tpu.memref_squeeze %dma_start3A_414 : memref<1x128x128xf32, #tpu.memory_space<vmem>> -> memref<128x128xf32, #tpu.memory_space<vmem>>
      tpu.enqueue_dma source(%dma_start3A_415 : memref<128x128xf32, #tpu.memory_space<vmem>>) target(%dma_start3A_411 : memref<128x128xf32, #tpu.memory_space<hbm>>) target_semaphore(%dma_start3A_409 : memref<!tpu.dma_semaphore, #tpu.memory_space<semaphore_mem>>)
      %add3A_416 = arith.constant 2 : i32
      %add3A_417 = arith.addi %mul3A_339, %add3A_416 : i32
      %dma_wait3A_418 = arith.constant 2 : i32
      %dma_wait3A_419 = arith.constant 2 : i32
      %dma_wait3A_420 = arith.constant 0 : i32
      %dma_wait3A_421 = arith.constant 0 : i32
      %dma_wait3A_422 = tpu.memref_slice %arg6[%dma_wait3A_418, %dma_wait3A_420, %dma_wait3A_421] : memref<5x128x128xf32, #tpu.memory_space<vmem>> -> memref<1x128x128xf32, #tpu.memory_space<vmem>>
      %dma_wait3A_423 = tpu.memref_squeeze %dma_wait3A_422 : memref<1x128x128xf32, #tpu.memory_space<vmem>> -> memref<128x128xf32, #tpu.memory_space<vmem>>
      %dma_wait3A_424 = arith.constant 0 : i32
      %dma_wait3A_425 = tpu.memref_slice %arg5[%add3A_417, %dma_wait3A_424] : memref<200x128xi32, #tpu.memory_space<vmem>> -> memref<1x128xi32, #tpu.memory_space<vmem>>
      %dma_wait3A_426 = tpu.memref_squeeze %dma_wait3A_425 : memref<1x128xi32, #tpu.memory_space<vmem>> -> memref<128xi32, #tpu.memory_space<vmem>>
      %dma_wait3A_427 = arith.constant 0 : i32
      %dma_wait3A_428 = arith.constant 0 : i32
      %dma_wait3A_429 = tpu.memref_slice %arg3[%dma_wait3A_427, %dma_wait3A_428] : memref<100008x128xf32, #tpu.memory_space<hbm>> -> memref<100008x128xf32, #tpu.memory_space<hbm>>
      %dma_wait3A_430 = tpu.memref_slice %arg7[%dma_wait3A_419] : memref<5x!tpu.dma_semaphore, #tpu.memory_space<semaphore_mem>> -> memref<1x!tpu.dma_semaphore, #tpu.memory_space<semaphore_mem>>
      %dma_wait3A_431 = tpu.memref_squeeze %dma_wait3A_430 : memref<1x!tpu.dma_semaphore, #tpu.memory_space<semaphore_mem>> -> memref<!tpu.dma_semaphore, #tpu.memory_space<semaphore_mem>>
      tpu.wait_indirect_dma semaphore(%dma_wait3A_431 : memref<!tpu.dma_semaphore, #tpu.memory_space<semaphore_mem>>) src(%dma_wait3A_429 : memref<100008x128xf32, #tpu.memory_space<hbm>>) dst(%dma_wait3A_423 : memref<128x128xf32, #tpu.memory_space<vmem>>)
      %add3A_432 = arith.constant 2 : i32
      %add3A_433 = arith.addi %mul3A_339, %add3A_432 : i32
      %mul3A_434 = arith.constant 128 : i32
      %mul3A_435 = arith.muli %add3A_433, %mul3A_434 : i32
      %add3A_436 = arith.addi %mul3A_2, %mul3A_435 : i32
      %dma_start3A_437 = arith.constant 2 : i32
      %dma_start3A_438 = arith.constant 2 : i32
      %dma_start3A_439 = arith.constant 0 : i32
      %dma_start3A_440 = arith.constant 0 : i32
      %dma_start3A_441 = tpu.memref_slice %arg6[%dma_start3A_437, %dma_start3A_439, %dma_start3A_440] : memref<5x128x128xf32, #tpu.memory_space<vmem>> -> memref<1x128x128xf32, #tpu.memory_space<vmem>>
      %dma_start3A_442 = tpu.memref_squeeze %dma_start3A_441 : memref<1x128x128xf32, #tpu.memory_space<vmem>> -> memref<128x128xf32, #tpu.memory_space<vmem>>
      %dma_start3A_443 = arith.constant 0 : i32
      %dma_start3A_444 = tpu.memref_slice %arg4[%add3A_436, %dma_start3A_443] : memref<819200x128xf32, #tpu.memory_space<hbm>> -> memref<128x128xf32, #tpu.memory_space<hbm>>
      %dma_start3A_445 = tpu.memref_slice %arg8[%dma_start3A_438] : memref<5x!tpu.dma_semaphore, #tpu.memory_space<semaphore_mem>> -> memref<1x!tpu.dma_semaphore, #tpu.memory_space<semaphore_mem>>
      %dma_start3A_446 = tpu.memref_squeeze %dma_start3A_445 : memref<1x!tpu.dma_semaphore, #tpu.memory_space<semaphore_mem>> -> memref<!tpu.dma_semaphore, #tpu.memory_space<semaphore_mem>>
      %dma_start3A_447 = arith.constant 0 : i32
      %dma_start3A_448 = tpu.memref_slice %arg4[%add3A_436, %dma_start3A_447] : memref<819200x128xf32, #tpu.memory_space<hbm>> -> memref<128x128xf32, #tpu.memory_space<hbm>>
      %dma_start3A_449 = arith.constant 0 : i32
      %dma_start3A_450 = arith.constant 0 : i32
      %dma_start3A_451 = tpu.memref_slice %arg6[%dma_start3A_437, %dma_start3A_449, %dma_start3A_450] : memref<5x128x128xf32, #tpu.memory_space<vmem>> -> memref<1x128x128xf32, #tpu.memory_space<vmem>>
      %dma_start3A_452 = tpu.memref_squeeze %dma_start3A_451 : memref<1x128x128xf32, #tpu.memory_space<vmem>> -> memref<128x128xf32, #tpu.memory_space<vmem>>
      tpu.enqueue_dma source(%dma_start3A_452 : memref<128x128xf32, #tpu.memory_space<vmem>>) target(%dma_start3A_448 : memref<128x128xf32, #tpu.memory_space<hbm>>) target_semaphore(%dma_start3A_446 : memref<!tpu.dma_semaphore, #tpu.memory_space<semaphore_mem>>)
      %add3A_453 = arith.constant 3 : i32
      %add3A_454 = arith.addi %mul3A_339, %add3A_453 : i32
      %dma_wait3A_455 = arith.constant 3 : i32
      %dma_wait3A_456 = arith.constant 3 : i32
      %dma_wait3A_457 = arith.constant 0 : i32
      %dma_wait3A_458 = arith.constant 0 : i32
      %dma_wait3A_459 = tpu.memref_slice %arg6[%dma_wait3A_455, %dma_wait3A_457, %dma_wait3A_458] : memref<5x128x128xf32, #tpu.memory_space<vmem>> -> memref<1x128x128xf32, #tpu.memory_space<vmem>>
      %dma_wait3A_460 = tpu.memref_squeeze %dma_wait3A_459 : memref<1x128x128xf32, #tpu.memory_space<vmem>> -> memref<128x128xf32, #tpu.memory_space<vmem>>
      %dma_wait3A_461 = arith.constant 0 : i32
      %dma_wait3A_462 = tpu.memref_slice %arg5[%add3A_454, %dma_wait3A_461] : memref<200x128xi32, #tpu.memory_space<vmem>> -> memref<1x128xi32, #tpu.memory_space<vmem>>
      %dma_wait3A_463 = tpu.memref_squeeze %dma_wait3A_462 : memref<1x128xi32, #tpu.memory_space<vmem>> -> memref<128xi32, #tpu.memory_space<vmem>>
      %dma_wait3A_464 = arith.constant 0 : i32
      %dma_wait3A_465 = arith.constant 0 : i32
      %dma_wait3A_466 = tpu.memref_slice %arg3[%dma_wait3A_464, %dma_wait3A_465] : memref<100008x128xf32, #tpu.memory_space<hbm>> -> memref<100008x128xf32, #tpu.memory_space<hbm>>
      %dma_wait3A_467 = tpu.memref_slice %arg7[%dma_wait3A_456] : memref<5x!tpu.dma_semaphore, #tpu.memory_space<semaphore_mem>> -> memref<1x!tpu.dma_semaphore, #tpu.memory_space<semaphore_mem>>
      %dma_wait3A_468 = tpu.memref_squeeze %dma_wait3A_467 : memref<1x!tpu.dma_semaphore, #tpu.memory_space<semaphore_mem>> -> memref<!tpu.dma_semaphore, #tpu.memory_space<semaphore_mem>>
      tpu.wait_indirect_dma semaphore(%dma_wait3A_468 : memref<!tpu.dma_semaphore, #tpu.memory_space<semaphore_mem>>) src(%dma_wait3A_466 : memref<100008x128xf32, #tpu.memory_space<hbm>>) dst(%dma_wait3A_460 : memref<128x128xf32, #tpu.memory_space<vmem>>)
      %add3A_469 = arith.constant 3 : i32
      %add3A_470 = arith.addi %mul3A_339, %add3A_469 : i32
      %mul3A_471 = arith.constant 128 : i32
      %mul3A_472 = arith.muli %add3A_470, %mul3A_471 : i32
      %add3A_473 = arith.addi %mul3A_2, %mul3A_472 : i32
      %dma_start3A_474 = arith.constant 3 : i32
      %dma_start3A_475 = arith.constant 3 : i32
      %dma_start3A_476 = arith.constant 0 : i32
      %dma_start3A_477 = arith.constant 0 : i32
      %dma_start3A_478 = tpu.memref_slice %arg6[%dma_start3A_474, %dma_start3A_476, %dma_start3A_477] : memref<5x128x128xf32, #tpu.memory_space<vmem>> -> memref<1x128x128xf32, #tpu.memory_space<vmem>>
      %dma_start3A_479 = tpu.memref_squeeze %dma_start3A_478 : memref<1x128x128xf32, #tpu.memory_space<vmem>> -> memref<128x128xf32, #tpu.memory_space<vmem>>
      %dma_start3A_480 = arith.constant 0 : i32
      %dma_start3A_481 = tpu.memref_slice %arg4[%add3A_473, %dma_start3A_480] : memref<819200x128xf32, #tpu.memory_space<hbm>> -> memref<128x128xf32, #tpu.memory_space<hbm>>
      %dma_start3A_482 = tpu.memref_slice %arg8[%dma_start3A_475] : memref<5x!tpu.dma_semaphore, #tpu.memory_space<semaphore_mem>> -> memref<1x!tpu.dma_semaphore, #tpu.memory_space<semaphore_mem>>
      %dma_start3A_483 = tpu.memref_squeeze %dma_start3A_482 : memref<1x!tpu.dma_semaphore, #tpu.memory_space<semaphore_mem>> -> memref<!tpu.dma_semaphore, #tpu.memory_space<semaphore_mem>>
      %dma_start3A_484 = arith.constant 0 : i32
      %dma_start3A_485 = tpu.memref_slice %arg4[%add3A_473, %dma_start3A_484] : memref<819200x128xf32, #tpu.memory_space<hbm>> -> memref<128x128xf32, #tpu.memory_space<hbm>>
      %dma_start3A_486 = arith.constant 0 : i32
      %dma_start3A_487 = arith.constant 0 : i32
      %dma_start3A_488 = tpu.memref_slice %arg6[%dma_start3A_474, %dma_start3A_486, %dma_start3A_487] : memref<5x128x128xf32, #tpu.memory_space<vmem>> -> memref<1x128x128xf32, #tpu.memory_space<vmem>>
      %dma_start3A_489 = tpu.memref_squeeze %dma_start3A_488 : memref<1x128x128xf32, #tpu.memory_space<vmem>> -> memref<128x128xf32, #tpu.memory_space<vmem>>
      tpu.enqueue_dma source(%dma_start3A_489 : memref<128x128xf32, #tpu.memory_space<vmem>>) target(%dma_start3A_485 : memref<128x128xf32, #tpu.memory_space<hbm>>) target_semaphore(%dma_start3A_483 : memref<!tpu.dma_semaphore, #tpu.memory_space<semaphore_mem>>)
      %add3A_490 = arith.constant 4 : i32
      %add3A_491 = arith.addi %mul3A_339, %add3A_490 : i32
      %dma_wait3A_492 = arith.constant 4 : i32
      %dma_wait3A_493 = arith.constant 4 : i32
      %dma_wait3A_494 = arith.constant 0 : i32
      %dma_wait3A_495 = arith.constant 0 : i32
      %dma_wait3A_496 = tpu.memref_slice %arg6[%dma_wait3A_492, %dma_wait3A_494, %dma_wait3A_495] : memref<5x128x128xf32, #tpu.memory_space<vmem>> -> memref<1x128x128xf32, #tpu.memory_space<vmem>>
      %dma_wait3A_497 = tpu.memref_squeeze %dma_wait3A_496 : memref<1x128x128xf32, #tpu.memory_space<vmem>> -> memref<128x128xf32, #tpu.memory_space<vmem>>
      %dma_wait3A_498 = arith.constant 0 : i32
      %dma_wait3A_499 = tpu.memref_slice %arg5[%add3A_491, %dma_wait3A_498] : memref<200x128xi32, #tpu.memory_space<vmem>> -> memref<1x128xi32, #tpu.memory_space<vmem>>
      %dma_wait3A_500 = tpu.memref_squeeze %dma_wait3A_499 : memref<1x128xi32, #tpu.memory_space<vmem>> -> memref<128xi32, #tpu.memory_space<vmem>>
      %dma_wait3A_501 = arith.constant 0 : i32
      %dma_wait3A_502 = arith.constant 0 : i32
      %dma_wait3A_503 = tpu.memref_slice %arg3[%dma_wait3A_501, %dma_wait3A_502] : memref<100008x128xf32, #tpu.memory_space<hbm>> -> memref<100008x128xf32, #tpu.memory_space<hbm>>
      %dma_wait3A_504 = tpu.memref_slice %arg7[%dma_wait3A_493] : memref<5x!tpu.dma_semaphore, #tpu.memory_space<semaphore_mem>> -> memref<1x!tpu.dma_semaphore, #tpu.memory_space<semaphore_mem>>
      %dma_wait3A_505 = tpu.memref_squeeze %dma_wait3A_504 : memref<1x!tpu.dma_semaphore, #tpu.memory_space<semaphore_mem>> -> memref<!tpu.dma_semaphore, #tpu.memory_space<semaphore_mem>>
      tpu.wait_indirect_dma semaphore(%dma_wait3A_505 : memref<!tpu.dma_semaphore, #tpu.memory_space<semaphore_mem>>) src(%dma_wait3A_503 : memref<100008x128xf32, #tpu.memory_space<hbm>>) dst(%dma_wait3A_497 : memref<128x128xf32, #tpu.memory_space<vmem>>)
      %add3A_506 = arith.constant 4 : i32
      %add3A_507 = arith.addi %mul3A_339, %add3A_506 : i32
      %mul3A_508 = arith.constant 128 : i32
      %mul3A_509 = arith.muli %add3A_507, %mul3A_508 : i32
      %add3A_510 = arith.addi %mul3A_2, %mul3A_509 : i32
      %dma_start3A_511 = arith.constant 4 : i32
      %dma_start3A_512 = arith.constant 4 : i32
      %dma_start3A_513 = arith.constant 0 : i32
      %dma_start3A_514 = arith.constant 0 : i32
      %dma_start3A_515 = tpu.memref_slice %arg6[%dma_start3A_511, %dma_start3A_513, %dma_start3A_514] : memref<5x128x128xf32, #tpu.memory_space<vmem>> -> memref<1x128x128xf32, #tpu.memory_space<vmem>>
      %dma_start3A_516 = tpu.memref_squeeze %dma_start3A_515 : memref<1x128x128xf32, #tpu.memory_space<vmem>> -> memref<128x128xf32, #tpu.memory_space<vmem>>
      %dma_start3A_517 = arith.constant 0 : i32
      %dma_start3A_518 = tpu.memref_slice %arg4[%add3A_510, %dma_start3A_517] : memref<819200x128xf32, #tpu.memory_space<hbm>> -> memref<128x128xf32, #tpu.memory_space<hbm>>
      %dma_start3A_519 = tpu.memref_slice %arg8[%dma_start3A_512] : memref<5x!tpu.dma_semaphore, #tpu.memory_space<semaphore_mem>> -> memref<1x!tpu.dma_semaphore, #tpu.memory_space<semaphore_mem>>
      %dma_start3A_520 = tpu.memref_squeeze %dma_start3A_519 : memref<1x!tpu.dma_semaphore, #tpu.memory_space<semaphore_mem>> -> memref<!tpu.dma_semaphore, #tpu.memory_space<semaphore_mem>>
      %dma_start3A_521 = arith.constant 0 : i32
      %dma_start3A_522 = tpu.memref_slice %arg4[%add3A_510, %dma_start3A_521] : memref<819200x128xf32, #tpu.memory_space<hbm>> -> memref<128x128xf32, #tpu.memory_space<hbm>>
      %dma_start3A_523 = arith.constant 0 : i32
      %dma_start3A_524 = arith.constant 0 : i32
      %dma_start3A_525 = tpu.memref_slice %arg6[%dma_start3A_511, %dma_start3A_523, %dma_start3A_524] : memref<5x128x128xf32, #tpu.memory_space<vmem>> -> memref<1x128x128xf32, #tpu.memory_space<vmem>>
      %dma_start3A_526 = tpu.memref_squeeze %dma_start3A_525 : memref<1x128x128xf32, #tpu.memory_space<vmem>> -> memref<128x128xf32, #tpu.memory_space<vmem>>
      tpu.enqueue_dma source(%dma_start3A_526 : memref<128x128xf32, #tpu.memory_space<vmem>>) target(%dma_start3A_522 : memref<128x128xf32, #tpu.memory_space<hbm>>) target_semaphore(%dma_start3A_520 : memref<!tpu.dma_semaphore, #tpu.memory_space<semaphore_mem>>)
      %add3A_527 = arith.constant 0 : i32
      %add3A_528 = arith.addi %mul3A_339, %add3A_527 : i32
      %mul3A_529 = arith.constant 128 : i32
      %mul3A_530 = arith.muli %add3A_528, %mul3A_529 : i32
      %add3A_531 = arith.addi %mul3A_2, %mul3A_530 : i32
      %dma_wait3A_532 = arith.constant 0 : i32
      %dma_wait3A_533 = arith.constant 0 : i32
      %dma_wait3A_534 = arith.constant 0 : i32
      %dma_wait3A_535 = arith.constant 0 : i32
      %dma_wait3A_536 = tpu.memref_slice %arg6[%dma_wait3A_532, %dma_wait3A_534, %dma_wait3A_535] : memref<5x128x128xf32, #tpu.memory_space<vmem>> -> memref<1x128x128xf32, #tpu.memory_space<vmem>>
      %dma_wait3A_537 = tpu.memref_squeeze %dma_wait3A_536 : memref<1x128x128xf32, #tpu.memory_space<vmem>> -> memref<128x128xf32, #tpu.memory_space<vmem>>
      %dma_wait3A_538 = arith.constant 0 : i32
      %dma_wait3A_539 = tpu.memref_slice %arg4[%add3A_531, %dma_wait3A_538] : memref<819200x128xf32, #tpu.memory_space<hbm>> -> memref<128x128xf32, #tpu.memory_space<hbm>>
      %dma_wait3A_540 = tpu.memref_slice %arg8[%dma_wait3A_533] : memref<5x!tpu.dma_semaphore, #tpu.memory_space<semaphore_mem>> -> memref<1x!tpu.dma_semaphore, #tpu.memory_space<semaphore_mem>>
      %dma_wait3A_541 = tpu.memref_squeeze %dma_wait3A_540 : memref<1x!tpu.dma_semaphore, #tpu.memory_space<semaphore_mem>> -> memref<!tpu.dma_semaphore, #tpu.memory_space<semaphore_mem>>
      %dma_wait3A_542 = arith.constant 0 : i32
      %dma_wait3A_543 = tpu.memref_slice %arg4[%add3A_531, %dma_wait3A_542] : memref<819200x128xf32, #tpu.memory_space<hbm>> -> memref<128x128xf32, #tpu.memory_space<hbm>>
      %dma_wait3A_544 = arith.constant 0 : i32
      %dma_wait3A_545 = arith.constant 0 : i32
      %dma_wait3A_546 = tpu.memref_slice %arg6[%dma_wait3A_532, %dma_wait3A_544, %dma_wait3A_545] : memref<5x128x128xf32, #tpu.memory_space<vmem>> -> memref<1x128x128xf32, #tpu.memory_space<vmem>>
      %dma_wait3A_547 = tpu.memref_squeeze %dma_wait3A_546 : memref<1x128x128xf32, #tpu.memory_space<vmem>> -> memref<128x128xf32, #tpu.memory_space<vmem>>
      tpu.wait_dma2 semaphore(%dma_wait3A_541 : memref<!tpu.dma_semaphore, #tpu.memory_space<semaphore_mem>>) src(%dma_wait3A_547 : memref<128x128xf32, #tpu.memory_space<vmem>>) dst(%dma_wait3A_543 : memref<128x128xf32, #tpu.memory_space<hbm>>)
      %add3A_548 = arith.constant 0 : i32
      %add3A_549 = arith.addi %mul3A_341, %add3A_548 : i32
      %dma_start3A_550 = arith.constant 0 : i32
      %dma_start3A_551 = arith.constant 0 : i32
      %dma_start3A_552 = arith.constant 0 : i32
      %dma_start3A_553 = arith.constant 0 : i32
      %dma_start3A_554 = tpu.memref_slice %arg6[%dma_start3A_550, %dma_start3A_552, %dma_start3A_553] : memref<5x128x128xf32, #tpu.memory_space<vmem>> -> memref<1x128x128xf32, #tpu.memory_space<vmem>>
      %dma_start3A_555 = tpu.memref_squeeze %dma_start3A_554 : memref<1x128x128xf32, #tpu.memory_space<vmem>> -> memref<128x128xf32, #tpu.memory_space<vmem>>
      %dma_start3A_556 = arith.constant 0 : i32
      %dma_start3A_557 = tpu.memref_slice %arg5[%add3A_549, %dma_start3A_556] : memref<200x128xi32, #tpu.memory_space<vmem>> -> memref<1x128xi32, #tpu.memory_space<vmem>>
      %dma_start3A_558 = tpu.memref_squeeze %dma_start3A_557 : memref<1x128xi32, #tpu.memory_space<vmem>> -> memref<128xi32, #tpu.memory_space<vmem>>
      %dma_start3A_559 = arith.constant 0 : i32
      %dma_start3A_560 = arith.constant 0 : i32
      %dma_start3A_561 = tpu.memref_slice %arg3[%dma_start3A_559, %dma_start3A_560] : memref<100008x128xf32, #tpu.memory_space<hbm>> -> memref<100008x128xf32, #tpu.memory_space<hbm>>
      %dma_start3A_562 = tpu.memref_slice %arg7[%dma_start3A_551] : memref<5x!tpu.dma_semaphore, #tpu.memory_space<semaphore_mem>> -> memref<1x!tpu.dma_semaphore, #tpu.memory_space<semaphore_mem>>
      %dma_start3A_563 = tpu.memref_squeeze %dma_start3A_562 : memref<1x!tpu.dma_semaphore, #tpu.memory_space<semaphore_mem>> -> memref<!tpu.dma_semaphore, #tpu.memory_space<semaphore_mem>>
      tpu.enqueue_indirect_dma source(%dma_start3A_561 : memref<100008x128xf32, #tpu.memory_space<hbm>>) target(%dma_start3A_555 : memref<128x128xf32, #tpu.memory_space<vmem>>) offsets(%dma_start3A_558 : memref<128xi32, #tpu.memory_space<vmem>>) semaphore(%dma_start3A_563 : memref<!tpu.dma_semaphore, #tpu.memory_space<semaphore_mem>>)
      %add3A_564 = arith.constant 1 : i32
      %add3A_565 = arith.addi %mul3A_339, %add3A_564 : i32
      %mul3A_566 = arith.constant 128 : i32
      %mul3A_567 = arith.muli %add3A_565, %mul3A_566 : i32
      %add3A_568 = arith.addi %mul3A_2, %mul3A_567 : i32
      %dma_wait3A_569 = arith.constant 1 : i32
      %dma_wait3A_570 = arith.constant 1 : i32
      %dma_wait3A_571 = arith.constant 0 : i32
      %dma_wait3A_572 = arith.constant 0 : i32
      %dma_wait3A_573 = tpu.memref_slice %arg6[%dma_wait3A_569, %dma_wait3A_571, %dma_wait3A_572] : memref<5x128x128xf32, #tpu.memory_space<vmem>> -> memref<1x128x128xf32, #tpu.memory_space<vmem>>
      %dma_wait3A_574 = tpu.memref_squeeze %dma_wait3A_573 : memref<1x128x128xf32, #tpu.memory_space<vmem>> -> memref<128x128xf32, #tpu.memory_space<vmem>>
      %dma_wait3A_575 = arith.constant 0 : i32
      %dma_wait3A_576 = tpu.memref_slice %arg4[%add3A_568, %dma_wait3A_575] : memref<819200x128xf32, #tpu.memory_space<hbm>> -> memref<128x128xf32, #tpu.memory_space<hbm>>
      %dma_wait3A_577 = tpu.memref_slice %arg8[%dma_wait3A_570] : memref<5x!tpu.dma_semaphore, #tpu.memory_space<semaphore_mem>> -> memref<1x!tpu.dma_semaphore, #tpu.memory_space<semaphore_mem>>
      %dma_wait3A_578 = tpu.memref_squeeze %dma_wait3A_577 : memref<1x!tpu.dma_semaphore, #tpu.memory_space<semaphore_mem>> -> memref<!tpu.dma_semaphore, #tpu.memory_space<semaphore_mem>>
      %dma_wait3A_579 = arith.constant 0 : i32
      %dma_wait3A_580 = tpu.memref_slice %arg4[%add3A_568, %dma_wait3A_579] : memref<819200x128xf32, #tpu.memory_space<hbm>> -> memref<128x128xf32, #tpu.memory_space<hbm>>
      %dma_wait3A_581 = arith.constant 0 : i32
      %dma_wait3A_582 = arith.constant 0 : i32
      %dma_wait3A_583 = tpu.memref_slice %arg6[%dma_wait3A_569, %dma_wait3A_581, %dma_wait3A_582] : memref<5x128x128xf32, #tpu.memory_space<vmem>> -> memref<1x128x128xf32, #tpu.memory_space<vmem>>
      %dma_wait3A_584 = tpu.memref_squeeze %dma_wait3A_583 : memref<1x128x128xf32, #tpu.memory_space<vmem>> -> memref<128x128xf32, #tpu.memory_space<vmem>>
      tpu.wait_dma2 semaphore(%dma_wait3A_578 : memref<!tpu.dma_semaphore, #tpu.memory_space<semaphore_mem>>) src(%dma_wait3A_584 : memref<128x128xf32, #tpu.memory_space<vmem>>) dst(%dma_wait3A_580 : memref<128x128xf32, #tpu.memory_space<hbm>>)
      %add3A_585 = arith.constant 1 : i32
      %add3A_586 = arith.addi %mul3A_341, %add3A_585 : i32
      %dma_start3A_587 = arith.constant 1 : i32
      %dma_start3A_588 = arith.constant 1 : i32
      %dma_start3A_589 = arith.constant 0 : i32
      %dma_start3A_590 = arith.constant 0 : i32
      %dma_start3A_591 = tpu.memref_slice %arg6[%dma_start3A_587, %dma_start3A_589, %dma_start3A_590] : memref<5x128x128xf32, #tpu.memory_space<vmem>> -> memref<1x128x128xf32, #tpu.memory_space<vmem>>
      %dma_start3A_592 = tpu.memref_squeeze %dma_start3A_591 : memref<1x128x128xf32, #tpu.memory_space<vmem>> -> memref<128x128xf32, #tpu.memory_space<vmem>>
      %dma_start3A_593 = arith.constant 0 : i32
      %dma_start3A_594 = tpu.memref_slice %arg5[%add3A_586, %dma_start3A_593] : memref<200x128xi32, #tpu.memory_space<vmem>> -> memref<1x128xi32, #tpu.memory_space<vmem>>
      %dma_start3A_595 = tpu.memref_squeeze %dma_start3A_594 : memref<1x128xi32, #tpu.memory_space<vmem>> -> memref<128xi32, #tpu.memory_space<vmem>>
      %dma_start3A_596 = arith.constant 0 : i32
      %dma_start3A_597 = arith.constant 0 : i32
      %dma_start3A_598 = tpu.memref_slice %arg3[%dma_start3A_596, %dma_start3A_597] : memref<100008x128xf32, #tpu.memory_space<hbm>> -> memref<100008x128xf32, #tpu.memory_space<hbm>>
      %dma_start3A_599 = tpu.memref_slice %arg7[%dma_start3A_588] : memref<5x!tpu.dma_semaphore, #tpu.memory_space<semaphore_mem>> -> memref<1x!tpu.dma_semaphore, #tpu.memory_space<semaphore_mem>>
      %dma_start3A_600 = tpu.memref_squeeze %dma_start3A_599 : memref<1x!tpu.dma_semaphore, #tpu.memory_space<semaphore_mem>> -> memref<!tpu.dma_semaphore, #tpu.memory_space<semaphore_mem>>
      tpu.enqueue_indirect_dma source(%dma_start3A_598 : memref<100008x128xf32, #tpu.memory_space<hbm>>) target(%dma_start3A_592 : memref<128x128xf32, #tpu.memory_space<vmem>>) offsets(%dma_start3A_595 : memref<128xi32, #tpu.memory_space<vmem>>) semaphore(%dma_start3A_600 : memref<!tpu.dma_semaphore, #tpu.memory_space<semaphore_mem>>)
      %add3A_601 = arith.constant 2 : i32
      %add3A_602 = arith.addi %mul3A_339, %add3A_601 : i32
      %mul3A_603 = arith.constant 128 : i32
      %mul3A_604 = arith.muli %add3A_602, %mul3A_603 : i32
      %add3A_605 = arith.addi %mul3A_2, %mul3A_604 : i32
      %dma_wait3A_606 = arith.constant 2 : i32
      %dma_wait3A_607 = arith.constant 2 : i32
      %dma_wait3A_608 = arith.constant 0 : i32
      %dma_wait3A_609 = arith.constant 0 : i32
      %dma_wait3A_610 = tpu.memref_slice %arg6[%dma_wait3A_606, %dma_wait3A_608, %dma_wait3A_609] : memref<5x128x128xf32, #tpu.memory_space<vmem>> -> memref<1x128x128xf32, #tpu.memory_space<vmem>>
      %dma_wait3A_611 = tpu.memref_squeeze %dma_wait3A_610 : memref<1x128x128xf32, #tpu.memory_space<vmem>> -> memref<128x128xf32, #tpu.memory_space<vmem>>
      %dma_wait3A_612 = arith.constant 0 : i32
      %dma_wait3A_613 = tpu.memref_slice %arg4[%add3A_605, %dma_wait3A_612] : memref<819200x128xf32, #tpu.memory_space<hbm>> -> memref<128x128xf32, #tpu.memory_space<hbm>>
      %dma_wait3A_614 = tpu.memref_slice %arg8[%dma_wait3A_607] : memref<5x!tpu.dma_semaphore, #tpu.memory_space<semaphore_mem>> -> memref<1x!tpu.dma_semaphore, #tpu.memory_space<semaphore_mem>>
      %dma_wait3A_615 = tpu.memref_squeeze %dma_wait3A_614 : memref<1x!tpu.dma_semaphore, #tpu.memory_space<semaphore_mem>> -> memref<!tpu.dma_semaphore, #tpu.memory_space<semaphore_mem>>
      %dma_wait3A_616 = arith.constant 0 : i32
      %dma_wait3A_617 = tpu.memref_slice %arg4[%add3A_605, %dma_wait3A_616] : memref<819200x128xf32, #tpu.memory_space<hbm>> -> memref<128x128xf32, #tpu.memory_space<hbm>>
      %dma_wait3A_618 = arith.constant 0 : i32
      %dma_wait3A_619 = arith.constant 0 : i32
      %dma_wait3A_620 = tpu.memref_slice %arg6[%dma_wait3A_606, %dma_wait3A_618, %dma_wait3A_619] : memref<5x128x128xf32, #tpu.memory_space<vmem>> -> memref<1x128x128xf32, #tpu.memory_space<vmem>>
      %dma_wait3A_621 = tpu.memref_squeeze %dma_wait3A_620 : memref<1x128x128xf32, #tpu.memory_space<vmem>> -> memref<128x128xf32, #tpu.memory_space<vmem>>
      tpu.wait_dma2 semaphore(%dma_wait3A_615 : memref<!tpu.dma_semaphore, #tpu.memory_space<semaphore_mem>>) src(%dma_wait3A_621 : memref<128x128xf32, #tpu.memory_space<vmem>>) dst(%dma_wait3A_617 : memref<128x128xf32, #tpu.memory_space<hbm>>)
      %add3A_622 = arith.constant 2 : i32
      %add3A_623 = arith.addi %mul3A_341, %add3A_622 : i32
      %dma_start3A_624 = arith.constant 2 : i32
      %dma_start3A_625 = arith.constant 2 : i32
      %dma_start3A_626 = arith.constant 0 : i32
      %dma_start3A_627 = arith.constant 0 : i32
      %dma_start3A_628 = tpu.memref_slice %arg6[%dma_start3A_624, %dma_start3A_626, %dma_start3A_627] : memref<5x128x128xf32, #tpu.memory_space<vmem>> -> memref<1x128x128xf32, #tpu.memory_space<vmem>>
      %dma_start3A_629 = tpu.memref_squeeze %dma_start3A_628 : memref<1x128x128xf32, #tpu.memory_space<vmem>> -> memref<128x128xf32, #tpu.memory_space<vmem>>
      %dma_start3A_630 = arith.constant 0 : i32
      %dma_start3A_631 = tpu.memref_slice %arg5[%add3A_623, %dma_start3A_630] : memref<200x128xi32, #tpu.memory_space<vmem>> -> memref<1x128xi32, #tpu.memory_space<vmem>>
      %dma_start3A_632 = tpu.memref_squeeze %dma_start3A_631 : memref<1x128xi32, #tpu.memory_space<vmem>> -> memref<128xi32, #tpu.memory_space<vmem>>
      %dma_start3A_633 = arith.constant 0 : i32
      %dma_start3A_634 = arith.constant 0 : i32
      %dma_start3A_635 = tpu.memref_slice %arg3[%dma_start3A_633, %dma_start3A_634] : memref<100008x128xf32, #tpu.memory_space<hbm>> -> memref<100008x128xf32, #tpu.memory_space<hbm>>
      %dma_start3A_636 = tpu.memref_slice %arg7[%dma_start3A_625] : memref<5x!tpu.dma_semaphore, #tpu.memory_space<semaphore_mem>> -> memref<1x!tpu.dma_semaphore, #tpu.memory_space<semaphore_mem>>
      %dma_start3A_637 = tpu.memref_squeeze %dma_start3A_636 : memref<1x!tpu.dma_semaphore, #tpu.memory_space<semaphore_mem>> -> memref<!tpu.dma_semaphore, #tpu.memory_space<semaphore_mem>>
      tpu.enqueue_indirect_dma source(%dma_start3A_635 : memref<100008x128xf32, #tpu.memory_space<hbm>>) target(%dma_start3A_629 : memref<128x128xf32, #tpu.memory_space<vmem>>) offsets(%dma_start3A_632 : memref<128xi32, #tpu.memory_space<vmem>>) semaphore(%dma_start3A_637 : memref<!tpu.dma_semaphore, #tpu.memory_space<semaphore_mem>>)
      %add3A_638 = arith.constant 3 : i32
      %add3A_639 = arith.addi %mul3A_339, %add3A_638 : i32
      %mul3A_640 = arith.constant 128 : i32
      %mul3A_641 = arith.muli %add3A_639, %mul3A_640 : i32
      %add3A_642 = arith.addi %mul3A_2, %mul3A_641 : i32
      %dma_wait3A_643 = arith.constant 3 : i32
      %dma_wait3A_644 = arith.constant 3 : i32
      %dma_wait3A_645 = arith.constant 0 : i32
      %dma_wait3A_646 = arith.constant 0 : i32
      %dma_wait3A_647 = tpu.memref_slice %arg6[%dma_wait3A_643, %dma_wait3A_645, %dma_wait3A_646] : memref<5x128x128xf32, #tpu.memory_space<vmem>> -> memref<1x128x128xf32, #tpu.memory_space<vmem>>
      %dma_wait3A_648 = tpu.memref_squeeze %dma_wait3A_647 : memref<1x128x128xf32, #tpu.memory_space<vmem>> -> memref<128x128xf32, #tpu.memory_space<vmem>>
      %dma_wait3A_649 = arith.constant 0 : i32
      %dma_wait3A_650 = tpu.memref_slice %arg4[%add3A_642, %dma_wait3A_649] : memref<819200x128xf32, #tpu.memory_space<hbm>> -> memref<128x128xf32, #tpu.memory_space<hbm>>
      %dma_wait3A_651 = tpu.memref_slice %arg8[%dma_wait3A_644] : memref<5x!tpu.dma_semaphore, #tpu.memory_space<semaphore_mem>> -> memref<1x!tpu.dma_semaphore, #tpu.memory_space<semaphore_mem>>
      %dma_wait3A_652 = tpu.memref_squeeze %dma_wait3A_651 : memref<1x!tpu.dma_semaphore, #tpu.memory_space<semaphore_mem>> -> memref<!tpu.dma_semaphore, #tpu.memory_space<semaphore_mem>>
      %dma_wait3A_653 = arith.constant 0 : i32
      %dma_wait3A_654 = tpu.memref_slice %arg4[%add3A_642, %dma_wait3A_653] : memref<819200x128xf32, #tpu.memory_space<hbm>> -> memref<128x128xf32, #tpu.memory_space<hbm>>
      %dma_wait3A_655 = arith.constant 0 : i32
      %dma_wait3A_656 = arith.constant 0 : i32
      %dma_wait3A_657 = tpu.memref_slice %arg6[%dma_wait3A_643, %dma_wait3A_655, %dma_wait3A_656] : memref<5x128x128xf32, #tpu.memory_space<vmem>> -> memref<1x128x128xf32, #tpu.memory_space<vmem>>
      %dma_wait3A_658 = tpu.memref_squeeze %dma_wait3A_657 : memref<1x128x128xf32, #tpu.memory_space<vmem>> -> memref<128x128xf32, #tpu.memory_space<vmem>>
      tpu.wait_dma2 semaphore(%dma_wait3A_652 : memref<!tpu.dma_semaphore, #tpu.memory_space<semaphore_mem>>) src(%dma_wait3A_658 : memref<128x128xf32, #tpu.memory_space<vmem>>) dst(%dma_wait3A_654 : memref<128x128xf32, #tpu.memory_space<hbm>>)
      %add3A_659 = arith.constant 3 : i32
      %add3A_660 = arith.addi %mul3A_341, %add3A_659 : i32
      %dma_start3A_661 = arith.constant 3 : i32
      %dma_start3A_662 = arith.constant 3 : i32
      %dma_start3A_663 = arith.constant 0 : i32
      %dma_start3A_664 = arith.constant 0 : i32
      %dma_start3A_665 = tpu.memref_slice %arg6[%dma_start3A_661, %dma_start3A_663, %dma_start3A_664] : memref<5x128x128xf32, #tpu.memory_space<vmem>> -> memref<1x128x128xf32, #tpu.memory_space<vmem>>
      %dma_start3A_666 = tpu.memref_squeeze %dma_start3A_665 : memref<1x128x128xf32, #tpu.memory_space<vmem>> -> memref<128x128xf32, #tpu.memory_space<vmem>>
      %dma_start3A_667 = arith.constant 0 : i32
      %dma_start3A_668 = tpu.memref_slice %arg5[%add3A_660, %dma_start3A_667] : memref<200x128xi32, #tpu.memory_space<vmem>> -> memref<1x128xi32, #tpu.memory_space<vmem>>
      %dma_start3A_669 = tpu.memref_squeeze %dma_start3A_668 : memref<1x128xi32, #tpu.memory_space<vmem>> -> memref<128xi32, #tpu.memory_space<vmem>>
      %dma_start3A_670 = arith.constant 0 : i32
      %dma_start3A_671 = arith.constant 0 : i32
      %dma_start3A_672 = tpu.memref_slice %arg3[%dma_start3A_670, %dma_start3A_671] : memref<100008x128xf32, #tpu.memory_space<hbm>> -> memref<100008x128xf32, #tpu.memory_space<hbm>>
      %dma_start3A_673 = tpu.memref_slice %arg7[%dma_start3A_662] : memref<5x!tpu.dma_semaphore, #tpu.memory_space<semaphore_mem>> -> memref<1x!tpu.dma_semaphore, #tpu.memory_space<semaphore_mem>>
      %dma_start3A_674 = tpu.memref_squeeze %dma_start3A_673 : memref<1x!tpu.dma_semaphore, #tpu.memory_space<semaphore_mem>> -> memref<!tpu.dma_semaphore, #tpu.memory_space<semaphore_mem>>
      tpu.enqueue_indirect_dma source(%dma_start3A_672 : memref<100008x128xf32, #tpu.memory_space<hbm>>) target(%dma_start3A_666 : memref<128x128xf32, #tpu.memory_space<vmem>>) offsets(%dma_start3A_669 : memref<128xi32, #tpu.memory_space<vmem>>) semaphore(%dma_start3A_674 : memref<!tpu.dma_semaphore, #tpu.memory_space<semaphore_mem>>)
      %add3A_675 = arith.constant 4 : i32
      %add3A_676 = arith.addi %mul3A_339, %add3A_675 : i32
      %mul3A_677 = arith.constant 128 : i32
      %mul3A_678 = arith.muli %add3A_676, %mul3A_677 : i32
      %add3A_679 = arith.addi %mul3A_2, %mul3A_678 : i32
      %dma_wait3A_680 = arith.constant 4 : i32
      %dma_wait3A_681 = arith.constant 4 : i32
      %dma_wait3A_682 = arith.constant 0 : i32
      %dma_wait3A_683 = arith.constant 0 : i32
      %dma_wait3A_684 = tpu.memref_slice %arg6[%dma_wait3A_680, %dma_wait3A_682, %dma_wait3A_683] : memref<5x128x128xf32, #tpu.memory_space<vmem>> -> memref<1x128x128xf32, #tpu.memory_space<vmem>>
      %dma_wait3A_685 = tpu.memref_squeeze %dma_wait3A_684 : memref<1x128x128xf32, #tpu.memory_space<vmem>> -> memref<128x128xf32, #tpu.memory_space<vmem>>
      %dma_wait3A_686 = arith.constant 0 : i32
      %dma_wait3A_687 = tpu.memref_slice %arg4[%add3A_679, %dma_wait3A_686] : memref<819200x128xf32, #tpu.memory_space<hbm>> -> memref<128x128xf32, #tpu.memory_space<hbm>>
      %dma_wait3A_688 = tpu.memref_slice %arg8[%dma_wait3A_681] : memref<5x!tpu.dma_semaphore, #tpu.memory_space<semaphore_mem>> -> memref<1x!tpu.dma_semaphore, #tpu.memory_space<semaphore_mem>>
      %dma_wait3A_689 = tpu.memref_squeeze %dma_wait3A_688 : memref<1x!tpu.dma_semaphore, #tpu.memory_space<semaphore_mem>> -> memref<!tpu.dma_semaphore, #tpu.memory_space<semaphore_mem>>
      %dma_wait3A_690 = arith.constant 0 : i32
      %dma_wait3A_691 = tpu.memref_slice %arg4[%add3A_679, %dma_wait3A_690] : memref<819200x128xf32, #tpu.memory_space<hbm>> -> memref<128x128xf32, #tpu.memory_space<hbm>>
      %dma_wait3A_692 = arith.constant 0 : i32
      %dma_wait3A_693 = arith.constant 0 : i32
      %dma_wait3A_694 = tpu.memref_slice %arg6[%dma_wait3A_680, %dma_wait3A_692, %dma_wait3A_693] : memref<5x128x128xf32, #tpu.memory_space<vmem>> -> memref<1x128x128xf32, #tpu.memory_space<vmem>>
      %dma_wait3A_695 = tpu.memref_squeeze %dma_wait3A_694 : memref<1x128x128xf32, #tpu.memory_space<vmem>> -> memref<128x128xf32, #tpu.memory_space<vmem>>
      tpu.wait_dma2 semaphore(%dma_wait3A_689 : memref<!tpu.dma_semaphore, #tpu.memory_space<semaphore_mem>>) src(%dma_wait3A_695 : memref<128x128xf32, #tpu.memory_space<vmem>>) dst(%dma_wait3A_691 : memref<128x128xf32, #tpu.memory_space<hbm>>)
      %add3A_696 = arith.constant 4 : i32
      %add3A_697 = arith.addi %mul3A_341, %add3A_696 : i32
      %dma_start3A_698 = arith.constant 4 : i32
      %dma_start3A_699 = arith.constant 4 : i32
      %dma_start3A_700 = arith.constant 0 : i32
      %dma_start3A_701 = arith.constant 0 : i32
      %dma_start3A_702 = tpu.memref_slice %arg6[%dma_start3A_698, %dma_start3A_700, %dma_start3A_701] : memref<5x128x128xf32, #tpu.memory_space<vmem>> -> memref<1x128x128xf32, #tpu.memory_space<vmem>>
      %dma_start3A_703 = tpu.memref_squeeze %dma_start3A_702 : memref<1x128x128xf32, #tpu.memory_space<vmem>> -> memref<128x128xf32, #tpu.memory_space<vmem>>
      %dma_start3A_704 = arith.constant 0 : i32
      %dma_start3A_705 = tpu.memref_slice %arg5[%add3A_697, %dma_start3A_704] : memref<200x128xi32, #tpu.memory_space<vmem>> -> memref<1x128xi32, #tpu.memory_space<vmem>>
      %dma_start3A_706 = tpu.memref_squeeze %dma_start3A_705 : memref<1x128xi32, #tpu.memory_space<vmem>> -> memref<128xi32, #tpu.memory_space<vmem>>
      %dma_start3A_707 = arith.constant 0 : i32
      %dma_start3A_708 = arith.constant 0 : i32
      %dma_start3A_709 = tpu.memref_slice %arg3[%dma_start3A_707, %dma_start3A_708] : memref<100008x128xf32, #tpu.memory_space<hbm>> -> memref<100008x128xf32, #tpu.memory_space<hbm>>
      %dma_start3A_710 = tpu.memref_slice %arg7[%dma_start3A_699] : memref<5x!tpu.dma_semaphore, #tpu.memory_space<semaphore_mem>> -> memref<1x!tpu.dma_semaphore, #tpu.memory_space<semaphore_mem>>
      %dma_start3A_711 = tpu.memref_squeeze %dma_start3A_710 : memref<1x!tpu.dma_semaphore, #tpu.memory_space<semaphore_mem>> -> memref<!tpu.dma_semaphore, #tpu.memory_space<semaphore_mem>>
      tpu.enqueue_indirect_dma source(%dma_start3A_709 : memref<100008x128xf32, #tpu.memory_space<hbm>>) target(%dma_start3A_703 : memref<128x128xf32, #tpu.memory_space<vmem>>) offsets(%dma_start3A_706 : memref<128xi32, #tpu.memory_space<vmem>>) semaphore(%dma_start3A_711 : memref<!tpu.dma_semaphore, #tpu.memory_space<semaphore_mem>>)
    }
    %scan3A_81 = arith.constant 39 : i32
    %dma_wait3A = arith.constant 195 : i32
    %dma_wait3A_82 = arith.constant 0 : i32
    %dma_wait3A_83 = arith.constant 0 : i32
    %dma_wait3A_84 = arith.constant 0 : i32
    %dma_wait3A_85 = arith.constant 0 : i32
    %dma_wait3A_86 = tpu.memref_slice %arg6[%dma_wait3A_82, %dma_wait3A_84, %dma_wait3A_85] : memref<5x128x128xf32, #tpu.memory_space<vmem>> -> memref<1x128x128xf32, #tpu.memory_space<vmem>>
    %dma_wait3A_87 = tpu.memref_squeeze %dma_wait3A_86 : memref<1x128x128xf32, #tpu.memory_space<vmem>> -> memref<128x128xf32, #tpu.memory_space<vmem>>
    %dma_wait3A_88 = arith.constant 0 : i32
    %dma_wait3A_89 = tpu.memref_slice %arg5[%dma_wait3A, %dma_wait3A_88] : memref<200x128xi32, #tpu.memory_space<vmem>> -> memref<1x128xi32, #tpu.memory_space<vmem>>
    %dma_wait3A_90 = tpu.memref_squeeze %dma_wait3A_89 : memref<1x128xi32, #tpu.memory_space<vmem>> -> memref<128xi32, #tpu.memory_space<vmem>>
    %dma_wait3A_91 = arith.constant 0 : i32
    %dma_wait3A_92 = arith.constant 0 : i32
    %dma_wait3A_93 = tpu.memref_slice %arg3[%dma_wait3A_91, %dma_wait3A_92] : memref<100008x128xf32, #tpu.memory_space<hbm>> -> memref<100008x128xf32, #tpu.memory_space<hbm>>
    %dma_wait3A_94 = tpu.memref_slice %arg7[%dma_wait3A_83] : memref<5x!tpu.dma_semaphore, #tpu.memory_space<semaphore_mem>> -> memref<1x!tpu.dma_semaphore, #tpu.memory_space<semaphore_mem>>
    %dma_wait3A_95 = tpu.memref_squeeze %dma_wait3A_94 : memref<1x!tpu.dma_semaphore, #tpu.memory_space<semaphore_mem>> -> memref<!tpu.dma_semaphore, #tpu.memory_space<semaphore_mem>>
    tpu.wait_indirect_dma semaphore(%dma_wait3A_95 : memref<!tpu.dma_semaphore, #tpu.memory_space<semaphore_mem>>) src(%dma_wait3A_93 : memref<100008x128xf32, #tpu.memory_space<hbm>>) dst(%dma_wait3A_87 : memref<128x128xf32, #tpu.memory_space<vmem>>)
    %add3A_96 = arith.constant 24960 : i32
    %add3A_97 = arith.addi %mul3A_2, %add3A_96 : i32
    %dma_start3A_98 = arith.constant 0 : i32
    %dma_start3A_99 = arith.constant 0 : i32
    %dma_start3A_100 = arith.constant 0 : i32
    %dma_start3A_101 = arith.constant 0 : i32
    %dma_start3A_102 = tpu.memref_slice %arg6[%dma_start3A_98, %dma_start3A_100, %dma_start3A_101] : memref<5x128x128xf32, #tpu.memory_space<vmem>> -> memref<1x128x128xf32, #tpu.memory_space<vmem>>
    %dma_start3A_103 = tpu.memref_squeeze %dma_start3A_102 : memref<1x128x128xf32, #tpu.memory_space<vmem>> -> memref<128x128xf32, #tpu.memory_space<vmem>>
    %dma_start3A_104 = arith.constant 0 : i32
    %dma_start3A_105 = tpu.memref_slice %arg4[%add3A_97, %dma_start3A_104] : memref<819200x128xf32, #tpu.memory_space<hbm>> -> memref<128x128xf32, #tpu.memory_space<hbm>>
    %dma_start3A_106 = tpu.memref_slice %arg8[%dma_start3A_99] : memref<5x!tpu.dma_semaphore, #tpu.memory_space<semaphore_mem>> -> memref<1x!tpu.dma_semaphore, #tpu.memory_space<semaphore_mem>>
    %dma_start3A_107 = tpu.memref_squeeze %dma_start3A_106 : memref<1x!tpu.dma_semaphore, #tpu.memory_space<semaphore_mem>> -> memref<!tpu.dma_semaphore, #tpu.memory_space<semaphore_mem>>
    %dma_start3A_108 = arith.constant 0 : i32
    %dma_start3A_109 = tpu.memref_slice %arg4[%add3A_97, %dma_start3A_108] : memref<819200x128xf32, #tpu.memory_space<hbm>> -> memref<128x128xf32, #tpu.memory_space<hbm>>
    %dma_start3A_110 = arith.constant 0 : i32
    %dma_start3A_111 = arith.constant 0 : i32
    %dma_start3A_112 = tpu.memref_slice %arg6[%dma_start3A_98, %dma_start3A_110, %dma_start3A_111] : memref<5x128x128xf32, #tpu.memory_space<vmem>> -> memref<1x128x128xf32, #tpu.memory_space<vmem>>
    %dma_start3A_113 = tpu.memref_squeeze %dma_start3A_112 : memref<1x128x128xf32, #tpu.memory_space<vmem>> -> memref<128x128xf32, #tpu.memory_space<vmem>>
    tpu.enqueue_dma source(%dma_start3A_113 : memref<128x128xf32, #tpu.memory_space<vmem>>) target(%dma_start3A_109 : memref<128x128xf32, #tpu.memory_space<hbm>>) target_semaphore(%dma_start3A_107 : memref<!tpu.dma_semaphore, #tpu.memory_space<semaphore_mem>>)
    %dma_wait3A_114 = arith.constant 196 : i32
    %dma_wait3A_115 = arith.constant 1 : i32
    %dma_wait3A_116 = arith.constant 1 : i32
    %dma_wait3A_117 = arith.constant 0 : i32
    %dma_wait3A_118 = arith.constant 0 : i32
    %dma_wait3A_119 = tpu.memref_slice %arg6[%dma_wait3A_115, %dma_wait3A_117, %dma_wait3A_118] : memref<5x128x128xf32, #tpu.memory_space<vmem>> -> memref<1x128x128xf32, #tpu.memory_space<vmem>>
    %dma_wait3A_120 = tpu.memref_squeeze %dma_wait3A_119 : memref<1x128x128xf32, #tpu.memory_space<vmem>> -> memref<128x128xf32, #tpu.memory_space<vmem>>
    %dma_wait3A_121 = arith.constant 0 : i32
    %dma_wait3A_122 = tpu.memref_slice %arg5[%dma_wait3A_114, %dma_wait3A_121] : memref<200x128xi32, #tpu.memory_space<vmem>> -> memref<1x128xi32, #tpu.memory_space<vmem>>
    %dma_wait3A_123 = tpu.memref_squeeze %dma_wait3A_122 : memref<1x128xi32, #tpu.memory_space<vmem>> -> memref<128xi32, #tpu.memory_space<vmem>>
    %dma_wait3A_124 = arith.constant 0 : i32
    %dma_wait3A_125 = arith.constant 0 : i32
    %dma_wait3A_126 = tpu.memref_slice %arg3[%dma_wait3A_124, %dma_wait3A_125] : memref<100008x128xf32, #tpu.memory_space<hbm>> -> memref<100008x128xf32, #tpu.memory_space<hbm>>
    %dma_wait3A_127 = tpu.memref_slice %arg7[%dma_wait3A_116] : memref<5x!tpu.dma_semaphore, #tpu.memory_space<semaphore_mem>> -> memref<1x!tpu.dma_semaphore, #tpu.memory_space<semaphore_mem>>
    %dma_wait3A_128 = tpu.memref_squeeze %dma_wait3A_127 : memref<1x!tpu.dma_semaphore, #tpu.memory_space<semaphore_mem>> -> memref<!tpu.dma_semaphore, #tpu.memory_space<semaphore_mem>>
    tpu.wait_indirect_dma semaphore(%dma_wait3A_128 : memref<!tpu.dma_semaphore, #tpu.memory_space<semaphore_mem>>) src(%dma_wait3A_126 : memref<100008x128xf32, #tpu.memory_space<hbm>>) dst(%dma_wait3A_120 : memref<128x128xf32, #tpu.memory_space<vmem>>)
    %add3A_129 = arith.constant 25088 : i32
    %add3A_130 = arith.addi %mul3A_2, %add3A_129 : i32
    %dma_start3A_131 = arith.constant 1 : i32
    %dma_start3A_132 = arith.constant 1 : i32
    %dma_start3A_133 = arith.constant 0 : i32
    %dma_start3A_134 = arith.constant 0 : i32
    %dma_start3A_135 = tpu.memref_slice %arg6[%dma_start3A_131, %dma_start3A_133, %dma_start3A_134] : memref<5x128x128xf32, #tpu.memory_space<vmem>> -> memref<1x128x128xf32, #tpu.memory_space<vmem>>
    %dma_start3A_136 = tpu.memref_squeeze %dma_start3A_135 : memref<1x128x128xf32, #tpu.memory_space<vmem>> -> memref<128x128xf32, #tpu.memory_space<vmem>>
    %dma_start3A_137 = arith.constant 0 : i32
    %dma_start3A_138 = tpu.memref_slice %arg4[%add3A_130, %dma_start3A_137] : memref<819200x128xf32, #tpu.memory_space<hbm>> -> memref<128x128xf32, #tpu.memory_space<hbm>>
    %dma_start3A_139 = tpu.memref_slice %arg8[%dma_start3A_132] : memref<5x!tpu.dma_semaphore, #tpu.memory_space<semaphore_mem>> -> memref<1x!tpu.dma_semaphore, #tpu.memory_space<semaphore_mem>>
    %dma_start3A_140 = tpu.memref_squeeze %dma_start3A_139 : memref<1x!tpu.dma_semaphore, #tpu.memory_space<semaphore_mem>> -> memref<!tpu.dma_semaphore, #tpu.memory_space<semaphore_mem>>
    %dma_start3A_141 = arith.constant 0 : i32
    %dma_start3A_142 = tpu.memref_slice %arg4[%add3A_130, %dma_start3A_141] : memref<819200x128xf32, #tpu.memory_space<hbm>> -> memref<128x128xf32, #tpu.memory_space<hbm>>
    %dma_start3A_143 = arith.constant 0 : i32
    %dma_start3A_144 = arith.constant 0 : i32
    %dma_start3A_145 = tpu.memref_slice %arg6[%dma_start3A_131, %dma_start3A_143, %dma_start3A_144] : memref<5x128x128xf32, #tpu.memory_space<vmem>> -> memref<1x128x128xf32, #tpu.memory_space<vmem>>
    %dma_start3A_146 = tpu.memref_squeeze %dma_start3A_145 : memref<1x128x128xf32, #tpu.memory_space<vmem>> -> memref<128x128xf32, #tpu.memory_space<vmem>>
    tpu.enqueue_dma source(%dma_start3A_146 : memref<128x128xf32, #tpu.memory_space<vmem>>) target(%dma_start3A_142 : memref<128x128xf32, #tpu.memory_space<hbm>>) target_semaphore(%dma_start3A_140 : memref<!tpu.dma_semaphore, #tpu.memory_space<semaphore_mem>>)
    %dma_wait3A_147 = arith.constant 197 : i32
    %dma_wait3A_148 = arith.constant 2 : i32
    %dma_wait3A_149 = arith.constant 2 : i32
    %dma_wait3A_150 = arith.constant 0 : i32
    %dma_wait3A_151 = arith.constant 0 : i32
    %dma_wait3A_152 = tpu.memref_slice %arg6[%dma_wait3A_148, %dma_wait3A_150, %dma_wait3A_151] : memref<5x128x128xf32, #tpu.memory_space<vmem>> -> memref<1x128x128xf32, #tpu.memory_space<vmem>>
    %dma_wait3A_153 = tpu.memref_squeeze %dma_wait3A_152 : memref<1x128x128xf32, #tpu.memory_space<vmem>> -> memref<128x128xf32, #tpu.memory_space<vmem>>
    %dma_wait3A_154 = arith.constant 0 : i32
    %dma_wait3A_155 = tpu.memref_slice %arg5[%dma_wait3A_147, %dma_wait3A_154] : memref<200x128xi32, #tpu.memory_space<vmem>> -> memref<1x128xi32, #tpu.memory_space<vmem>>
    %dma_wait3A_156 = tpu.memref_squeeze %dma_wait3A_155 : memref<1x128xi32, #tpu.memory_space<vmem>> -> memref<128xi32, #tpu.memory_space<vmem>>
    %dma_wait3A_157 = arith.constant 0 : i32
    %dma_wait3A_158 = arith.constant 0 : i32
    %dma_wait3A_159 = tpu.memref_slice %arg3[%dma_wait3A_157, %dma_wait3A_158] : memref<100008x128xf32, #tpu.memory_space<hbm>> -> memref<100008x128xf32, #tpu.memory_space<hbm>>
    %dma_wait3A_160 = tpu.memref_slice %arg7[%dma_wait3A_149] : memref<5x!tpu.dma_semaphore, #tpu.memory_space<semaphore_mem>> -> memref<1x!tpu.dma_semaphore, #tpu.memory_space<semaphore_mem>>
    %dma_wait3A_161 = tpu.memref_squeeze %dma_wait3A_160 : memref<1x!tpu.dma_semaphore, #tpu.memory_space<semaphore_mem>> -> memref<!tpu.dma_semaphore, #tpu.memory_space<semaphore_mem>>
    tpu.wait_indirect_dma semaphore(%dma_wait3A_161 : memref<!tpu.dma_semaphore, #tpu.memory_space<semaphore_mem>>) src(%dma_wait3A_159 : memref<100008x128xf32, #tpu.memory_space<hbm>>) dst(%dma_wait3A_153 : memref<128x128xf32, #tpu.memory_space<vmem>>)
    %add3A_162 = arith.constant 25216 : i32
    %add3A_163 = arith.addi %mul3A_2, %add3A_162 : i32
    %dma_start3A_164 = arith.constant 2 : i32
    %dma_start3A_165 = arith.constant 2 : i32
    %dma_start3A_166 = arith.constant 0 : i32
    %dma_start3A_167 = arith.constant 0 : i32
    %dma_start3A_168 = tpu.memref_slice %arg6[%dma_start3A_164, %dma_start3A_166, %dma_start3A_167] : memref<5x128x128xf32, #tpu.memory_space<vmem>> -> memref<1x128x128xf32, #tpu.memory_space<vmem>>
    %dma_start3A_169 = tpu.memref_squeeze %dma_start3A_168 : memref<1x128x128xf32, #tpu.memory_space<vmem>> -> memref<128x128xf32, #tpu.memory_space<vmem>>
    %dma_start3A_170 = arith.constant 0 : i32
    %dma_start3A_171 = tpu.memref_slice %arg4[%add3A_163, %dma_start3A_170] : memref<819200x128xf32, #tpu.memory_space<hbm>> -> memref<128x128xf32, #tpu.memory_space<hbm>>
    %dma_start3A_172 = tpu.memref_slice %arg8[%dma_start3A_165] : memref<5x!tpu.dma_semaphore, #tpu.memory_space<semaphore_mem>> -> memref<1x!tpu.dma_semaphore, #tpu.memory_space<semaphore_mem>>
    %dma_start3A_173 = tpu.memref_squeeze %dma_start3A_172 : memref<1x!tpu.dma_semaphore, #tpu.memory_space<semaphore_mem>> -> memref<!tpu.dma_semaphore, #tpu.memory_space<semaphore_mem>>
    %dma_start3A_174 = arith.constant 0 : i32
    %dma_start3A_175 = tpu.memref_slice %arg4[%add3A_163, %dma_start3A_174] : memref<819200x128xf32, #tpu.memory_space<hbm>> -> memref<128x128xf32, #tpu.memory_space<hbm>>
    %dma_start3A_176 = arith.constant 0 : i32
    %dma_start3A_177 = arith.constant 0 : i32
    %dma_start3A_178 = tpu.memref_slice %arg6[%dma_start3A_164, %dma_start3A_176, %dma_start3A_177] : memref<5x128x128xf32, #tpu.memory_space<vmem>> -> memref<1x128x128xf32, #tpu.memory_space<vmem>>
    %dma_start3A_179 = tpu.memref_squeeze %dma_start3A_178 : memref<1x128x128xf32, #tpu.memory_space<vmem>> -> memref<128x128xf32, #tpu.memory_space<vmem>>
    tpu.enqueue_dma source(%dma_start3A_179 : memref<128x128xf32, #tpu.memory_space<vmem>>) target(%dma_start3A_175 : memref<128x128xf32, #tpu.memory_space<hbm>>) target_semaphore(%dma_start3A_173 : memref<!tpu.dma_semaphore, #tpu.memory_space<semaphore_mem>>)
    %dma_wait3A_180 = arith.constant 198 : i32
    %dma_wait3A_181 = arith.constant 3 : i32
    %dma_wait3A_182 = arith.constant 3 : i32
    %dma_wait3A_183 = arith.constant 0 : i32
    %dma_wait3A_184 = arith.constant 0 : i32
    %dma_wait3A_185 = tpu.memref_slice %arg6[%dma_wait3A_181, %dma_wait3A_183, %dma_wait3A_184] : memref<5x128x128xf32, #tpu.memory_space<vmem>> -> memref<1x128x128xf32, #tpu.memory_space<vmem>>
    %dma_wait3A_186 = tpu.memref_squeeze %dma_wait3A_185 : memref<1x128x128xf32, #tpu.memory_space<vmem>> -> memref<128x128xf32, #tpu.memory_space<vmem>>
    %dma_wait3A_187 = arith.constant 0 : i32
    %dma_wait3A_188 = tpu.memref_slice %arg5[%dma_wait3A_180, %dma_wait3A_187] : memref<200x128xi32, #tpu.memory_space<vmem>> -> memref<1x128xi32, #tpu.memory_space<vmem>>
    %dma_wait3A_189 = tpu.memref_squeeze %dma_wait3A_188 : memref<1x128xi32, #tpu.memory_space<vmem>> -> memref<128xi32, #tpu.memory_space<vmem>>
    %dma_wait3A_190 = arith.constant 0 : i32
    %dma_wait3A_191 = arith.constant 0 : i32
    %dma_wait3A_192 = tpu.memref_slice %arg3[%dma_wait3A_190, %dma_wait3A_191] : memref<100008x128xf32, #tpu.memory_space<hbm>> -> memref<100008x128xf32, #tpu.memory_space<hbm>>
    %dma_wait3A_193 = tpu.memref_slice %arg7[%dma_wait3A_182] : memref<5x!tpu.dma_semaphore, #tpu.memory_space<semaphore_mem>> -> memref<1x!tpu.dma_semaphore, #tpu.memory_space<semaphore_mem>>
    %dma_wait3A_194 = tpu.memref_squeeze %dma_wait3A_193 : memref<1x!tpu.dma_semaphore, #tpu.memory_space<semaphore_mem>> -> memref<!tpu.dma_semaphore, #tpu.memory_space<semaphore_mem>>
    tpu.wait_indirect_dma semaphore(%dma_wait3A_194 : memref<!tpu.dma_semaphore, #tpu.memory_space<semaphore_mem>>) src(%dma_wait3A_192 : memref<100008x128xf32, #tpu.memory_space<hbm>>) dst(%dma_wait3A_186 : memref<128x128xf32, #tpu.memory_space<vmem>>)
    %add3A_195 = arith.constant 25344 : i32
    %add3A_196 = arith.addi %mul3A_2, %add3A_195 : i32
    %dma_start3A_197 = arith.constant 3 : i32
    %dma_start3A_198 = arith.constant 3 : i32
    %dma_start3A_199 = arith.constant 0 : i32
    %dma_start3A_200 = arith.constant 0 : i32
    %dma_start3A_201 = tpu.memref_slice %arg6[%dma_start3A_197, %dma_start3A_199, %dma_start3A_200] : memref<5x128x128xf32, #tpu.memory_space<vmem>> -> memref<1x128x128xf32, #tpu.memory_space<vmem>>
    %dma_start3A_202 = tpu.memref_squeeze %dma_start3A_201 : memref<1x128x128xf32, #tpu.memory_space<vmem>> -> memref<128x128xf32, #tpu.memory_space<vmem>>
    %dma_start3A_203 = arith.constant 0 : i32
    %dma_start3A_204 = tpu.memref_slice %arg4[%add3A_196, %dma_start3A_203] : memref<819200x128xf32, #tpu.memory_space<hbm>> -> memref<128x128xf32, #tpu.memory_space<hbm>>
    %dma_start3A_205 = tpu.memref_slice %arg8[%dma_start3A_198] : memref<5x!tpu.dma_semaphore, #tpu.memory_space<semaphore_mem>> -> memref<1x!tpu.dma_semaphore, #tpu.memory_space<semaphore_mem>>
    %dma_start3A_206 = tpu.memref_squeeze %dma_start3A_205 : memref<1x!tpu.dma_semaphore, #tpu.memory_space<semaphore_mem>> -> memref<!tpu.dma_semaphore, #tpu.memory_space<semaphore_mem>>
    %dma_start3A_207 = arith.constant 0 : i32
    %dma_start3A_208 = tpu.memref_slice %arg4[%add3A_196, %dma_start3A_207] : memref<819200x128xf32, #tpu.memory_space<hbm>> -> memref<128x128xf32, #tpu.memory_space<hbm>>
    %dma_start3A_209 = arith.constant 0 : i32
    %dma_start3A_210 = arith.constant 0 : i32
    %dma_start3A_211 = tpu.memref_slice %arg6[%dma_start3A_197, %dma_start3A_209, %dma_start3A_210] : memref<5x128x128xf32, #tpu.memory_space<vmem>> -> memref<1x128x128xf32, #tpu.memory_space<vmem>>
    %dma_start3A_212 = tpu.memref_squeeze %dma_start3A_211 : memref<1x128x128xf32, #tpu.memory_space<vmem>> -> memref<128x128xf32, #tpu.memory_space<vmem>>
    tpu.enqueue_dma source(%dma_start3A_212 : memref<128x128xf32, #tpu.memory_space<vmem>>) target(%dma_start3A_208 : memref<128x128xf32, #tpu.memory_space<hbm>>) target_semaphore(%dma_start3A_206 : memref<!tpu.dma_semaphore, #tpu.memory_space<semaphore_mem>>)
    %dma_wait3A_213 = arith.constant 199 : i32
    %dma_wait3A_214 = arith.constant 4 : i32
    %dma_wait3A_215 = arith.constant 4 : i32
    %dma_wait3A_216 = arith.constant 0 : i32
    %dma_wait3A_217 = arith.constant 0 : i32
    %dma_wait3A_218 = tpu.memref_slice %arg6[%dma_wait3A_214, %dma_wait3A_216, %dma_wait3A_217] : memref<5x128x128xf32, #tpu.memory_space<vmem>> -> memref<1x128x128xf32, #tpu.memory_space<vmem>>
    %dma_wait3A_219 = tpu.memref_squeeze %dma_wait3A_218 : memref<1x128x128xf32, #tpu.memory_space<vmem>> -> memref<128x128xf32, #tpu.memory_space<vmem>>
    %dma_wait3A_220 = arith.constant 0 : i32
    %dma_wait3A_221 = tpu.memref_slice %arg5[%dma_wait3A_213, %dma_wait3A_220] : memref<200x128xi32, #tpu.memory_space<vmem>> -> memref<1x128xi32, #tpu.memory_space<vmem>>
    %dma_wait3A_222 = tpu.memref_squeeze %dma_wait3A_221 : memref<1x128xi32, #tpu.memory_space<vmem>> -> memref<128xi32, #tpu.memory_space<vmem>>
    %dma_wait3A_223 = arith.constant 0 : i32
    %dma_wait3A_224 = arith.constant 0 : i32
    %dma_wait3A_225 = tpu.memref_slice %arg3[%dma_wait3A_223, %dma_wait3A_224] : memref<100008x128xf32, #tpu.memory_space<hbm>> -> memref<100008x128xf32, #tpu.memory_space<hbm>>
    %dma_wait3A_226 = tpu.memref_slice %arg7[%dma_wait3A_215] : memref<5x!tpu.dma_semaphore, #tpu.memory_space<semaphore_mem>> -> memref<1x!tpu.dma_semaphore, #tpu.memory_space<semaphore_mem>>
    %dma_wait3A_227 = tpu.memref_squeeze %dma_wait3A_226 : memref<1x!tpu.dma_semaphore, #tpu.memory_space<semaphore_mem>> -> memref<!tpu.dma_semaphore, #tpu.memory_space<semaphore_mem>>
    tpu.wait_indirect_dma semaphore(%dma_wait3A_227 : memref<!tpu.dma_semaphore, #tpu.memory_space<semaphore_mem>>) src(%dma_wait3A_225 : memref<100008x128xf32, #tpu.memory_space<hbm>>) dst(%dma_wait3A_219 : memref<128x128xf32, #tpu.memory_space<vmem>>)
    %add3A_228 = arith.constant 25472 : i32
    %add3A_229 = arith.addi %mul3A_2, %add3A_228 : i32
    %dma_start3A_230 = arith.constant 4 : i32
    %dma_start3A_231 = arith.constant 4 : i32
    %dma_start3A_232 = arith.constant 0 : i32
    %dma_start3A_233 = arith.constant 0 : i32
    %dma_start3A_234 = tpu.memref_slice %arg6[%dma_start3A_230, %dma_start3A_232, %dma_start3A_233] : memref<5x128x128xf32, #tpu.memory_space<vmem>> -> memref<1x128x128xf32, #tpu.memory_space<vmem>>
    %dma_start3A_235 = tpu.memref_squeeze %dma_start3A_234 : memref<1x128x128xf32, #tpu.memory_space<vmem>> -> memref<128x128xf32, #tpu.memory_space<vmem>>
    %dma_start3A_236 = arith.constant 0 : i32
    %dma_start3A_237 = tpu.memref_slice %arg4[%add3A_229, %dma_start3A_236] : memref<819200x128xf32, #tpu.memory_space<hbm>> -> memref<128x128xf32, #tpu.memory_space<hbm>>
    %dma_start3A_238 = tpu.memref_slice %arg8[%dma_start3A_231] : memref<5x!tpu.dma_semaphore, #tpu.memory_space<semaphore_mem>> -> memref<1x!tpu.dma_semaphore, #tpu.memory_space<semaphore_mem>>
    %dma_start3A_239 = tpu.memref_squeeze %dma_start3A_238 : memref<1x!tpu.dma_semaphore, #tpu.memory_space<semaphore_mem>> -> memref<!tpu.dma_semaphore, #tpu.memory_space<semaphore_mem>>
    %dma_start3A_240 = arith.constant 0 : i32
    %dma_start3A_241 = tpu.memref_slice %arg4[%add3A_229, %dma_start3A_240] : memref<819200x128xf32, #tpu.memory_space<hbm>> -> memref<128x128xf32, #tpu.memory_space<hbm>>
    %dma_start3A_242 = arith.constant 0 : i32
    %dma_start3A_243 = arith.constant 0 : i32
    %dma_start3A_244 = tpu.memref_slice %arg6[%dma_start3A_230, %dma_start3A_242, %dma_start3A_243] : memref<5x128x128xf32, #tpu.memory_space<vmem>> -> memref<1x128x128xf32, #tpu.memory_space<vmem>>
    %dma_start3A_245 = tpu.memref_squeeze %dma_start3A_244 : memref<1x128x128xf32, #tpu.memory_space<vmem>> -> memref<128x128xf32, #tpu.memory_space<vmem>>
    tpu.enqueue_dma source(%dma_start3A_245 : memref<128x128xf32, #tpu.memory_space<vmem>>) target(%dma_start3A_241 : memref<128x128xf32, #tpu.memory_space<hbm>>) target_semaphore(%dma_start3A_239 : memref<!tpu.dma_semaphore, #tpu.memory_space<semaphore_mem>>)
    %add3A_246 = arith.constant 24960 : i32
    %add3A_247 = arith.addi %mul3A_2, %add3A_246 : i32
    %dma_wait3A_248 = arith.constant 0 : i32
    %dma_wait3A_249 = arith.constant 0 : i32
    %dma_wait3A_250 = arith.constant 0 : i32
    %dma_wait3A_251 = arith.constant 0 : i32
    %dma_wait3A_252 = tpu.memref_slice %arg6[%dma_wait3A_248, %dma_wait3A_250, %dma_wait3A_251] : memref<5x128x128xf32, #tpu.memory_space<vmem>> -> memref<1x128x128xf32, #tpu.memory_space<vmem>>
    %dma_wait3A_253 = tpu.memref_squeeze %dma_wait3A_252 : memref<1x128x128xf32, #tpu.memory_space<vmem>> -> memref<128x128xf32, #tpu.memory_space<vmem>>
    %dma_wait3A_254 = arith.constant 0 : i32
    %dma_wait3A_255 = tpu.memref_slice %arg4[%add3A_247, %dma_wait3A_254] : memref<819200x128xf32, #tpu.memory_space<hbm>> -> memref<128x128xf32, #tpu.memory_space<hbm>>
    %dma_wait3A_256 = tpu.memref_slice %arg8[%dma_wait3A_249] : memref<5x!tpu.dma_semaphore, #tpu.memory_space<semaphore_mem>> -> memref<1x!tpu.dma_semaphore, #tpu.memory_space<semaphore_mem>>
    %dma_wait3A_257 = tpu.memref_squeeze %dma_wait3A_256 : memref<1x!tpu.dma_semaphore, #tpu.memory_space<semaphore_mem>> -> memref<!tpu.dma_semaphore, #tpu.memory_space<semaphore_mem>>
    %dma_wait3A_258 = arith.constant 0 : i32
    %dma_wait3A_259 = tpu.memref_slice %arg4[%add3A_247, %dma_wait3A_258] : memref<819200x128xf32, #tpu.memory_space<hbm>> -> memref<128x128xf32, #tpu.memory_space<hbm>>
    %dma_wait3A_260 = arith.constant 0 : i32
    %dma_wait3A_261 = arith.constant 0 : i32
    %dma_wait3A_262 = tpu.memref_slice %arg6[%dma_wait3A_248, %dma_wait3A_260, %dma_wait3A_261] : memref<5x128x128xf32, #tpu.memory_space<vmem>> -> memref<1x128x128xf32, #tpu.memory_space<vmem>>
    %dma_wait3A_263 = tpu.memref_squeeze %dma_wait3A_262 : memref<1x128x128xf32, #tpu.memory_space<vmem>> -> memref<128x128xf32, #tpu.memory_space<vmem>>
    tpu.wait_dma2 semaphore(%dma_wait3A_257 : memref<!tpu.dma_semaphore, #tpu.memory_space<semaphore_mem>>) src(%dma_wait3A_263 : memref<128x128xf32, #tpu.memory_space<vmem>>) dst(%dma_wait3A_259 : memref<128x128xf32, #tpu.memory_space<hbm>>)
    %add3A_264 = arith.constant 25088 : i32
    %add3A_265 = arith.addi %mul3A_2, %add3A_264 : i32
    %dma_wait3A_266 = arith.constant 1 : i32
    %dma_wait3A_267 = arith.constant 1 : i32
    %dma_wait3A_268 = arith.constant 0 : i32
    %dma_wait3A_269 = arith.constant 0 : i32
    %dma_wait3A_270 = tpu.memref_slice %arg6[%dma_wait3A_266, %dma_wait3A_268, %dma_wait3A_269] : memref<5x128x128xf32, #tpu.memory_space<vmem>> -> memref<1x128x128xf32, #tpu.memory_space<vmem>>
    %dma_wait3A_271 = tpu.memref_squeeze %dma_wait3A_270 : memref<1x128x128xf32, #tpu.memory_space<vmem>> -> memref<128x128xf32, #tpu.memory_space<vmem>>
    %dma_wait3A_272 = arith.constant 0 : i32
    %dma_wait3A_273 = tpu.memref_slice %arg4[%add3A_265, %dma_wait3A_272] : memref<819200x128xf32, #tpu.memory_space<hbm>> -> memref<128x128xf32, #tpu.memory_space<hbm>>
    %dma_wait3A_274 = tpu.memref_slice %arg8[%dma_wait3A_267] : memref<5x!tpu.dma_semaphore, #tpu.memory_space<semaphore_mem>> -> memref<1x!tpu.dma_semaphore, #tpu.memory_space<semaphore_mem>>
    %dma_wait3A_275 = tpu.memref_squeeze %dma_wait3A_274 : memref<1x!tpu.dma_semaphore, #tpu.memory_space<semaphore_mem>> -> memref<!tpu.dma_semaphore, #tpu.memory_space<semaphore_mem>>
    %dma_wait3A_276 = arith.constant 0 : i32
    %dma_wait3A_277 = tpu.memref_slice %arg4[%add3A_265, %dma_wait3A_276] : memref<819200x128xf32, #tpu.memory_space<hbm>> -> memref<128x128xf32, #tpu.memory_space<hbm>>
    %dma_wait3A_278 = arith.constant 0 : i32
    %dma_wait3A_279 = arith.constant 0 : i32
    %dma_wait3A_280 = tpu.memref_slice %arg6[%dma_wait3A_266, %dma_wait3A_278, %dma_wait3A_279] : memref<5x128x128xf32, #tpu.memory_space<vmem>> -> memref<1x128x128xf32, #tpu.memory_space<vmem>>
    %dma_wait3A_281 = tpu.memref_squeeze %dma_wait3A_280 : memref<1x128x128xf32, #tpu.memory_space<vmem>> -> memref<128x128xf32, #tpu.memory_space<vmem>>
    tpu.wait_dma2 semaphore(%dma_wait3A_275 : memref<!tpu.dma_semaphore, #tpu.memory_space<semaphore_mem>>) src(%dma_wait3A_281 : memref<128x128xf32, #tpu.memory_space<vmem>>) dst(%dma_wait3A_277 : memref<128x128xf32, #tpu.memory_space<hbm>>)
    %add3A_282 = arith.constant 25216 : i32
    %add3A_283 = arith.addi %mul3A_2, %add3A_282 : i32
    %dma_wait3A_284 = arith.constant 2 : i32
    %dma_wait3A_285 = arith.constant 2 : i32
    %dma_wait3A_286 = arith.constant 0 : i32
    %dma_wait3A_287 = arith.constant 0 : i32
    %dma_wait3A_288 = tpu.memref_slice %arg6[%dma_wait3A_284, %dma_wait3A_286, %dma_wait3A_287] : memref<5x128x128xf32, #tpu.memory_space<vmem>> -> memref<1x128x128xf32, #tpu.memory_space<vmem>>
    %dma_wait3A_289 = tpu.memref_squeeze %dma_wait3A_288 : memref<1x128x128xf32, #tpu.memory_space<vmem>> -> memref<128x128xf32, #tpu.memory_space<vmem>>
    %dma_wait3A_290 = arith.constant 0 : i32
    %dma_wait3A_291 = tpu.memref_slice %arg4[%add3A_283, %dma_wait3A_290] : memref<819200x128xf32, #tpu.memory_space<hbm>> -> memref<128x128xf32, #tpu.memory_space<hbm>>
    %dma_wait3A_292 = tpu.memref_slice %arg8[%dma_wait3A_285] : memref<5x!tpu.dma_semaphore, #tpu.memory_space<semaphore_mem>> -> memref<1x!tpu.dma_semaphore, #tpu.memory_space<semaphore_mem>>
    %dma_wait3A_293 = tpu.memref_squeeze %dma_wait3A_292 : memref<1x!tpu.dma_semaphore, #tpu.memory_space<semaphore_mem>> -> memref<!tpu.dma_semaphore, #tpu.memory_space<semaphore_mem>>
    %dma_wait3A_294 = arith.constant 0 : i32
    %dma_wait3A_295 = tpu.memref_slice %arg4[%add3A_283, %dma_wait3A_294] : memref<819200x128xf32, #tpu.memory_space<hbm>> -> memref<128x128xf32, #tpu.memory_space<hbm>>
    %dma_wait3A_296 = arith.constant 0 : i32
    %dma_wait3A_297 = arith.constant 0 : i32
    %dma_wait3A_298 = tpu.memref_slice %arg6[%dma_wait3A_284, %dma_wait3A_296, %dma_wait3A_297] : memref<5x128x128xf32, #tpu.memory_space<vmem>> -> memref<1x128x128xf32, #tpu.memory_space<vmem>>
    %dma_wait3A_299 = tpu.memref_squeeze %dma_wait3A_298 : memref<1x128x128xf32, #tpu.memory_space<vmem>> -> memref<128x128xf32, #tpu.memory_space<vmem>>
    tpu.wait_dma2 semaphore(%dma_wait3A_293 : memref<!tpu.dma_semaphore, #tpu.memory_space<semaphore_mem>>) src(%dma_wait3A_299 : memref<128x128xf32, #tpu.memory_space<vmem>>) dst(%dma_wait3A_295 : memref<128x128xf32, #tpu.memory_space<hbm>>)
    %add3A_300 = arith.constant 25344 : i32
    %add3A_301 = arith.addi %mul3A_2, %add3A_300 : i32
    %dma_wait3A_302 = arith.constant 3 : i32
    %dma_wait3A_303 = arith.constant 3 : i32
    %dma_wait3A_304 = arith.constant 0 : i32
    %dma_wait3A_305 = arith.constant 0 : i32
    %dma_wait3A_306 = tpu.memref_slice %arg6[%dma_wait3A_302, %dma_wait3A_304, %dma_wait3A_305] : memref<5x128x128xf32, #tpu.memory_space<vmem>> -> memref<1x128x128xf32, #tpu.memory_space<vmem>>
    %dma_wait3A_307 = tpu.memref_squeeze %dma_wait3A_306 : memref<1x128x128xf32, #tpu.memory_space<vmem>> -> memref<128x128xf32, #tpu.memory_space<vmem>>
    %dma_wait3A_308 = arith.constant 0 : i32
    %dma_wait3A_309 = tpu.memref_slice %arg4[%add3A_301, %dma_wait3A_308] : memref<819200x128xf32, #tpu.memory_space<hbm>> -> memref<128x128xf32, #tpu.memory_space<hbm>>
    %dma_wait3A_310 = tpu.memref_slice %arg8[%dma_wait3A_303] : memref<5x!tpu.dma_semaphore, #tpu.memory_space<semaphore_mem>> -> memref<1x!tpu.dma_semaphore, #tpu.memory_space<semaphore_mem>>
    %dma_wait3A_311 = tpu.memref_squeeze %dma_wait3A_310 : memref<1x!tpu.dma_semaphore, #tpu.memory_space<semaphore_mem>> -> memref<!tpu.dma_semaphore, #tpu.memory_space<semaphore_mem>>
    %dma_wait3A_312 = arith.constant 0 : i32
    %dma_wait3A_313 = tpu.memref_slice %arg4[%add3A_301, %dma_wait3A_312] : memref<819200x128xf32, #tpu.memory_space<hbm>> -> memref<128x128xf32, #tpu.memory_space<hbm>>
    %dma_wait3A_314 = arith.constant 0 : i32
    %dma_wait3A_315 = arith.constant 0 : i32
    %dma_wait3A_316 = tpu.memref_slice %arg6[%dma_wait3A_302, %dma_wait3A_314, %dma_wait3A_315] : memref<5x128x128xf32, #tpu.memory_space<vmem>> -> memref<1x128x128xf32, #tpu.memory_space<vmem>>
    %dma_wait3A_317 = tpu.memref_squeeze %dma_wait3A_316 : memref<1x128x128xf32, #tpu.memory_space<vmem>> -> memref<128x128xf32, #tpu.memory_space<vmem>>
    tpu.wait_dma2 semaphore(%dma_wait3A_311 : memref<!tpu.dma_semaphore, #tpu.memory_space<semaphore_mem>>) src(%dma_wait3A_317 : memref<128x128xf32, #tpu.memory_space<vmem>>) dst(%dma_wait3A_313 : memref<128x128xf32, #tpu.memory_space<hbm>>)
    %add3A_318 = arith.constant 25472 : i32
    %add3A_319 = arith.addi %mul3A_2, %add3A_318 : i32
    %dma_wait3A_320 = arith.constant 4 : i32
    %dma_wait3A_321 = arith.constant 4 : i32
    %dma_wait3A_322 = arith.constant 0 : i32
    %dma_wait3A_323 = arith.constant 0 : i32
    %dma_wait3A_324 = tpu.memref_slice %arg6[%dma_wait3A_320, %dma_wait3A_322, %dma_wait3A_323] : memref<5x128x128xf32, #tpu.memory_space<vmem>> -> memref<1x128x128xf32, #tpu.memory_space<vmem>>
    %dma_wait3A_325 = tpu.memref_squeeze %dma_wait3A_324 : memref<1x128x128xf32, #tpu.memory_space<vmem>> -> memref<128x128xf32, #tpu.memory_space<vmem>>
    %dma_wait3A_326 = arith.constant 0 : i32
    %dma_wait3A_327 = tpu.memref_slice %arg4[%add3A_319, %dma_wait3A_326] : memref<819200x128xf32, #tpu.memory_space<hbm>> -> memref<128x128xf32, #tpu.memory_space<hbm>>
    %dma_wait3A_328 = tpu.memref_slice %arg8[%dma_wait3A_321] : memref<5x!tpu.dma_semaphore, #tpu.memory_space<semaphore_mem>> -> memref<1x!tpu.dma_semaphore, #tpu.memory_space<semaphore_mem>>
    %dma_wait3A_329 = tpu.memref_squeeze %dma_wait3A_328 : memref<1x!tpu.dma_semaphore, #tpu.memory_space<semaphore_mem>> -> memref<!tpu.dma_semaphore, #tpu.memory_space<semaphore_mem>>
    %dma_wait3A_330 = arith.constant 0 : i32
    %dma_wait3A_331 = tpu.memref_slice %arg4[%add3A_319, %dma_wait3A_330] : memref<819200x128xf32, #tpu.memory_space<hbm>> -> memref<128x128xf32, #tpu.memory_space<hbm>>
    %dma_wait3A_332 = arith.constant 0 : i32
    %dma_wait3A_333 = arith.constant 0 : i32
    %dma_wait3A_334 = tpu.memref_slice %arg6[%dma_wait3A_320, %dma_wait3A_332, %dma_wait3A_333] : memref<5x128x128xf32, #tpu.memory_space<vmem>> -> memref<1x128x128xf32, #tpu.memory_space<vmem>>
    %dma_wait3A_335 = tpu.memref_squeeze %dma_wait3A_334 : memref<1x128x128xf32, #tpu.memory_space<vmem>> -> memref<128x128xf32, #tpu.memory_space<vmem>>
    tpu.wait_dma2 semaphore(%dma_wait3A_329 : memref<!tpu.dma_semaphore, #tpu.memory_space<semaphore_mem>>) src(%dma_wait3A_335 : memref<128x128xf32, #tpu.memory_space<vmem>>) dst(%dma_wait3A_331 : memref<128x128xf32, #tpu.memory_space<hbm>>)
    return
  }
}

module attributes {stable_mosaic.version = 14 : i64} {
  func.func @body(%arg0: i32, %arg1: memref<100x8192xf32, #tpu.memory_space<vmem>>, %arg2: memref<8192x128xf32, #tpu.memory_space<vmem>>) attributes {dimension_semantics = [#tpu.dimension_semantics<arbitrary>], iteration_bounds = array<i64: 13>, scalar_prefetch = 0 : i64, scratch_operands = 0 : i64, tpu.core_type = #tpu.core_type<tc>, window_params = [{transform_indices = @transform_0, window_bounds = array<i64: 100, 8192>}, {transform_indices = @transform_1, window_bounds = array<i64: 8192, 128>}]} {
    %get3A = arith.constant 0 : index
    %get3A_0 = arith.constant 0 : index
    %get3A_1 = vector.load %arg1[%get3A, %get3A_0] : memref<100x8192xf32, #tpu.memory_space<vmem>>, vector<100x8192xf32>
    %transpose3A = tpu.transpose %get3A_1, [1, 0] : vector<100x8192xf32> -> vector<8192x100xf32>
    %swap3A = arith.constant 0 : index
    %swap3A_2 = arith.constant 0 : index
    %swap3A_3 = vector.load %arg2[%swap3A, %swap3A_2] : memref<8192x128xf32, #tpu.memory_space<vmem>>, vector<8192x100xf32>
    tpu.vector_store %arg2[%swap3A, %swap3A_2], %transpose3A {strides = array<i32>} : memref<8192x128xf32, #tpu.memory_space<vmem>>, vector<8192x100xf32>,
    %broadcast_in_dim3A = arith.constant 0.000000e+00 : f32
    %broadcast_in_dim3A_4 = vector.broadcast %broadcast_in_dim3A : f32 to vector<8192x28xf32>
    %swap3A_5 = arith.constant 0 : index
    %swap3A_6 = arith.constant 100 : index
    %swap3A_7 = vector.load %arg2[%swap3A_5, %swap3A_6] : memref<8192x128xf32, #tpu.memory_space<vmem>>, vector<8192x28xf32>
    tpu.vector_store %arg2[%swap3A_5, %swap3A_6], %broadcast_in_dim3A_4 {strides = array<i32>} : memref<8192x128xf32, #tpu.memory_space<vmem>>, vector<8192x28xf32>,
    return
  }
  func.func @transform_0(%arg0: i32) -> (i32, i32) {
    %c0_i32 = arith.constant 0 : i32
    %c0_i32_0 = arith.constant 0 : i32
    return %c0_i32, %arg0 : i32, i32
  }
  func.func @transform_1(%arg0: i32) -> (i32, i32) {
    %c0_i32 = arith.constant 0 : i32
    %c0_i32_0 = arith.constant 0 : i32
    return %arg0, %c0_i32 : i32, i32
  }
}

</mosaic_0001>

<sc_bundles>
// kernel: kernel.4.cloned.1.call-start
scs
__scs_entry_jumppad:
0x0: {  	(pc) =	sbr.rel $0x88, $3  }
0x1: {  	(tag) =	ssettag $0x0;
	lr =	simm.s32 $0x1  }
0x2: {  	[smem:$0x3F9F] =	sst lr;
	_ =	strace $0xD0000000  }
0x3: {  	_ = 	snop  }
0x4: {  	_ = 	snop  }
0x5: {  	_ = 	snop  }
0x6: {  	_ = 	snop  }
0x7: {  	_ = 	snop  }
__scs_overlays_trampoline_lowered:
0x8: {  	[smem:$0x3FAE] =	sst s0  }
0x9: {  	[smem:$0x3FAF] =	sst s1  }
0xa: {  	[smem:$0x3FB0] =	sst s2  }
0xb: {  	[smem:$0x3FB1] =	sst s3  }
0xc: {  	[smem:$0x3FB2] =	sst s4  }
0xd: {  	[smem:$0x3FB3] =	sst s5  }
0xe: {  	[smem:$0x3FB4] =	sst s6  }
0xf: {  	[smem:$0x3FB5] =	sst s7  }
0x10: {  	[smem:$0x3FB6] =	sst s8  }
0x11: {  	[smem:$0x3FB7] =	sst s9;
	s0 =	simm.s32 @!p0 $0x0  }
0x12: {  	s1 =	sld [smem:$0x3F9D];
	s0 =	simm.s32 @p0 $0x1  }
0x13: {  	[smem:$0x3FB8] =	sst s0;
	s0 =	simm.s32 @!p1 $0x0  }
0x14: {  	s2 =	sld [smem:$0x3F9C];
	s0 =	simm.s32 @p1 $0x1  }
0x15: {  	[smem:$0x3FB9] =	sst s0;
	s0 =	simm.s32 @!p2 $0x0  }
0x16: {  	s3 =	sld [smem:$0x3FDB];
	s0 =	simm.s32 @p2 $0x1  }
0x17: {  	s4 =	simm.s32 $0x1BF5;
	[smem:$0x3FBB] =	sst s0  }
0x18: {  	s0 =	sld [smem:$0x3F9E];
	_ =	swait.ge [sflag:s4], $0x0  }
0x19: {  	s7 =	sld [smem:$0x3F9F]  }
0x1a: {  	s8 =	sadd.s32 $0xFFFFE003, lr  }
0x1b: {  	s9 =	sadd.s32 $0xFFFFFEF7, lr;
	s5 =	simm.s32 $0xFFFFFFFF;
	p2 =	slt.u32 s8, $0xFFFFF086  }
0x1c: {  	p1 =	slt.u32 s9, $0xF7A;
	s5 =	simm.s32 @!p2 $0x0  }
0x1d: {  	s5 =	simm.s32 @p1 $0x1;
	p0 =	seq.s32 s7, s2  }
0x1e: {  	s7 =	smul.u32 @!p0 $0xF7A, s2;
	p2 =	seq.s32 @!p0 s5, $0x0  }
0x1f: {  	s9 =	smul.u32 $0xF7A, s1;
	s8 =	simm.s32 @!p0 $0x1BF5;
	p2 =	por !p2, p0  }
0x20: {  	[sflag:s8] =	ssyncset.s32 @!p0 $0xFFFFF086;
	s6 =	sadd.s32 @!p0 s3, s7;
	s7 =	simm.s32 @!p0 $0x108  }
0x21: {  	s3 =	sadd.s32 s3, s9;
	s6 =	sadd.s32 @!p0 $0x88, s6;
	s7 =	simm.s32 @p2 $0x1082  }
0x22: {  	[simem:s7], [sflag:s8] =	dma.local @!p0 [hbm:s6], $0xF7A  }
0x23: {  	s9 =	sor.u32 $0xD0000000, s2;
	s6 =	simm.s32 $0x108;
	_ =	swait.ge @!p0 [sflag:s8], $0x0  }
0x24: {  	s3 =	sadd.s32 $0x88, s3;
	s6 =	simm.s32 @!p1 $0x1082;
	[sflag:s4] =	ssyncset.s32 $0xFFFFF086  }
0x25: {  	[simem:s6], [sflag:s4] =	dma.local [hbm:s3], $0xF7A  }
0x26: {  	[smem:$0x3F9F] =	sst s1;
	(tag) =	ssettag s2;
	_ =	strace s9  }
0x27: {  	s1 =	sld [smem:$0x3FAF]  }
0x28: {  	s2 =	sld [smem:$0x3FB0]  }
0x29: {  	s4 =	sld [smem:$0x3FB2]  }
0x2a: {  	p0 =	seq.s32 s5, $0x0;
	s5 =	sld [smem:$0x3FB3]  }
0x2b: {  	s6 =	sld [smem:$0x3FB4]  }
0x2c: {  	s7 =	sld [smem:$0x3FB5]  }
0x2d: {  	s3 =	simm.s32 $0x108;
	s8 =	sld [smem:$0x3FB6]  }
0x2e: {  	s3 =	simm.s32 @!p0 $0x1082;
	s9 =	sld [smem:$0x3FB7]  }
0x2f: {  	lr =	sadd.s32 s0, s3;
	s0 =	sld [smem:$0x3FAE]  }
0x30: {  	s3 =	sld [smem:$0x3FB1]  }
0x31: {  	[smem:$0x3FBA] =	sst s10  }
0x32: {  	s10 =	sld [smem:$0x3FB8];
	_ =	sdelay $0x3  }
0x33: {  	p0 =	seq.s32 s10, $0x1;
	s10 =	sld [smem:$0x3FBA];
	_ =	sdelay $0x3  }
0x34: {  	[smem:$0x3FBA] =	sst s10  }
0x35: {  	s10 =	sld [smem:$0x3FB9];
	_ =	sdelay $0x3  }
0x36: {  	p1 =	seq.s32 s10, $0x1;
	s10 =	sld [smem:$0x3FBA];
	_ =	sdelay $0x3  }
0x37: {  	[smem:$0x3FBA] =	sst s10  }
0x38: {  	s10 =	sld [smem:$0x3FBB]  }
0x39: {  	_ = 	snop;
	(pc) =	sbr.ind lr, $3  }
0x3a: {  	_ = 	snop  }
0x3b: {  	_ = 	snop  }
0x3c: {  	p2 =	seq.s32 s10, $0x1;
	s10 =	sld [smem:$0x3FBA]  }
0x3d: {  	_ =	shalt  }
0x3e: {  	_ =	shalt  }
0x3f: {  	_ =	shalt  }
0x40: {  	_ =	shalt  }
0x41: {  	_ =	shalt  }
0x42: {  	_ =	shalt  }
0x43: {  	_ =	shalt  }
0x44: {  	_ =	shalt  }
0x45: {  	_ =	shalt  }
0x46: {  	_ =	shalt  }
0x47: {  	_ =	shalt  }
0x48: {  	_ =	shalt  }
0x49: {  	_ =	shalt  }
0x4a: {  	_ =	shalt  }
0x4b: {  	_ =	shalt  }
0x4c: {  	_ =	shalt  }
0x4d: {  	_ =	shalt  }
0x4e: {  	_ =	shalt  }
0x4f: {  	_ =	shalt  }
0x50: {  	_ =	shalt  }
0x51: {  	_ =	shalt  }
0x52: {  	_ =	shalt  }
0x53: {  	_ =	shalt  }
0x54: {  	_ =	shalt  }
0x55: {  	_ =	shalt  }
0x56: {  	_ =	shalt  }
0x57: {  	_ =	shalt  }
0x58: {  	_ =	shalt  }
0x59: {  	_ =	shalt  }
0x5a: {  	_ =	shalt  }
0x5b: {  	_ =	shalt  }
0x5c: {  	_ =	shalt  }
0x5d: {  	_ =	shalt  }
0x5e: {  	_ =	shalt  }
0x5f: {  	_ =	shalt  }
0x60: {  	_ =	shalt  }
0x61: {  	_ =	shalt  }
0x62: {  	_ =	shalt  }
0x63: {  	_ =	shalt  }
0x64: {  	_ =	shalt  }
0x65: {  	_ =	shalt  }
0x66: {  	_ =	shalt  }
0x67: {  	_ =	shalt  }
0x68: {  	_ =	shalt  }
0x69: {  	_ =	shalt  }
0x6a: {  	_ =	shalt  }
0x6b: {  	_ =	shalt  }
0x6c: {  	_ =	shalt  }
0x6d: {  	_ =	shalt  }
0x6e: {  	_ =	shalt  }
0x6f: {  	_ =	shalt  }
0x70: {  	_ =	shalt  }
0x71: {  	_ =	shalt  }
0x72: {  	_ =	shalt  }
0x73: {  	_ =	shalt  }
0x74: {  	_ =	shalt  }
0x75: {  	_ =	shalt  }
0x76: {  	_ =	shalt  }
0x77: {  	_ =	shalt  }
0x78: {  	_ =	shalt  }
0x79: {  	_ =	shalt  }
0x7a: {  	_ =	shalt  }
0x7b: {  	_ =	shalt  }
0x7c: {  	_ =	shalt  }
0x7d: {  	_ =	shalt  }
0x7e: {  	_ =	shalt  }
0x7f: {  	_ =	shalt  }
0x80: {  	_ =	shalt  }
0x81: {  	_ =	shalt  }
0x82: {  	_ =	shalt  }
0x83: {  	_ =	shalt  }
0x84: {  	_ =	shalt  }
0x85: {  	_ =	shalt  }
0x86: {  	_ =	shalt  }
0x87: {  	_ =	shalt  }
.Lfunc_end0:
.L_simem_size_0:
called_computation.1_lowered:
.L_overlay_start_0:
0x88: {  	s2 =	sld [smem:$0x3FD9]  }
0x89: {  	s3 =	sld [smem:$0x3FFE];
	_ =	sdelay $0x1  }
0x8a: {  	s1 =	srdreg.scid  }
0x8b: {  	s0 =	sand.u32 $0x1, s1  }
0x8c: {  	s17 =	sshll.u32 s0, $0xA;
	s2 =	sadd.s32 s3, s2  }
0x8d: {  	s2 =	sadd.s32 s2, s17  }
0x8e: {  	[smem:$0x3FC6] =	sst s2  }
0x8f: {  	_ = 	snop  }
0x90: {  	s2 =	sld [smem:$0x3FD0];
	(tm) =	ssettm $0x1  }
0x91: {  	s18 =	sld [smem:$0x3FFB];
	_ =	sdelay $0x3  }
0x92: {  	_ =	strace s18  }
0x93: {  	s3 =	sld [smem:$0x3FFC];
	_ =	sdelay $0x3  }
0x94: {  	_ =	strace s3  }
0x95: {  	s3 =	sld [smem:$0x3FFD];
	_ =	sdelay $0x3  }
0x96: {  	_ =	strace s3  }
0x97: {  	_ =	strace $0x8FFFFFFF  }
0x98: {  	s19 =	sld [smem:$0x3FDB];
	_ =	sdelay $0x1  }
0x99: {  	s4 =	simm.s32 $_scs_section_size  }
0x9a: {  	s5 =	simm.s32 $_size__tile_overlayer_lowered;
	s6 =	simm.s32 $_tile_overlayer_lowered  }
0x9b: {  	s22 =	simm.s32 $0x1BFF;
	s21 =	sshll.u32 s6, $0x1;
	s3 =	sadd.s32 s4, s19  }
0x9c: {  	s7 =	simm.s32 $0x0;
	s20 =	sshll.u32 s5, $0x1;
	s5 =	sadd.s32 s21, s3  }
0x9d: {  	[timem:s7], [sflag:s22] =	dma.local [hbm:s5], s20  }
0x9e: {  	_ =	swait.ge [sflag:s22], s20  }
0x9f: {  	s4 =	ssub.s32 $0x0, s20;
	[sflag:s22] =	ssyncset.done $0x0  }
0xa0: {  	[sflag:s22] =	ssyncadd.s32 s4;
	_ =	sdelay $0x1  }
0xa1: {  	s23 =	simm.s32 $0x1B8B  }
0xa2: {  	_ =	swait.ge [sflag:s23], $0x1  }
0xa3: {  	[sflag:s23] =	ssyncset.done $0x0  }
0xa4: {  	s25 =	simm.s32 $0x1B8E;
	s24 =	sld [smem:$0x3FFE];
	[sflag:s23] =	ssyncadd.s32 $0xFFFFFFFF  }
0xa5: {  	s26 =	simm.s32 $execute0_lowered;
	[smem:$0x3FD2] =	sst s25  }
0xa6: {  	s5 =	sshll.u32 s26, $0x1;
	_ =	strace $0x80000046;
	[dreg:$0x1] =	wrdreg $0xFFFFFFFF  }
0xa7: {  	s28 =	simm.s32 $_size_execute0_lowered;
	s3 =	sadd.s32 s3, s5;
	[dreg:$0x0] =	wrdreg $0x0  }
0xa8: {  	s5 =	sshll.u32 s28, $0x1;
	[dreg:$0x2] =	wrdreg s3  }
0xa9: {  	[dreg:$0x3] =	wrdreg s5  }
0xaa: {  	[dreg:$0x4] =	wrdreg $0xC0  }
0xab: {  	_ =	task [dreg:s7], $0x5FFFF  }
0xac: {  	[dreg:$0x1] =	wrdreg $0xFFFFFFFF  }
0xad: {  	[dreg:$0x0] =	wrdreg $0x60  }
0xae: {  	[dreg:$0x2] =	wrdreg s24  }
0xaf: {  	[dreg:$0x3] =	wrdreg s2  }
0xb0: {  	[dreg:$0x4] =	wrdreg $0x9  }
0xb1: {  	_ =	task.clear_ibuf [dreg:s7], $0x5FFFF;
	_ =	strace $0x90000046  }
0xb2: {  	s29 =	simm.s32 $0x9;
	_ =	strace $0x80000048  }
0xb3: {  	_ =	swait.ge [sflag:s29], $0x1  }
0xb4: {  	[sflag:s29] =	ssyncadd.s32 $0xFFFFFFFF  }
0xb5: {  	_ =	strace $0x90000048  }
0xb6: {  	_ =	sfence  }
0xb7: {  	s30 =	sld [smem:$0x0];
	_ =	sdelay $0x2  }
0xb8: {  	s31 =	sshll.u32 s1, $0xD;
	s1 =	sshrl.u32 s1, $0x2  }
0xb9: {  	s3 =	sand.u32 $0x4000, s31;
	s1 =	sadd.s32 s1, s30  }
0xba: {  	s0 =	sor.u32 s3, s0;
	s1 =	sshll.u32 s1, $0x11  }
0xbb: {  	s0 =	sor.u32 s1, s0  }
0xbc: {  	s0 =	sadd.s32 $0x8F2B, s0  }
0xbd: {  	[sflag:s0] =	ssyncadd.remote.s32 $0x1  }
0xbe: {  	_ =	sfence.sel $0xFFFF  }
0xbf: {  	[dreg:$0x0] =	wrdreg $0xFFFFFFFF;
	(pc) =	sbr.abs _section_cstart, $3  }
0xc0: {  	[dreg:$0x1] =	wrdreg $0xFFFFFFFF  }
0xc1: {  	_ =	task.clear_ibuf [dreg:s7], $0x2FFFF;
	_ =	strace $0x9FFFFFFF  }
0xc2: {  	(tm) =	ssettm $0x7FFFFFFF  }
0xc3: {  	_ =	shalt  }
tec
execute0_lowered:
.L_overlay_start_1:
0x0: {  	(tag) =	ssettag $0x1  }
0x1: {  	s0 =	rddreg [dreg:$0x0]  }
0x2: {  	s1 =	srdreg.scid;
	s8 =	stileid.u32  }
0x3: {  	s2 =	rddreg [dreg:$0x1];
	s3 =	simm.s32 $0x0;
	s12 =	simm.s32 $0xB  }
0x4: {  	s13 =	simm.s32 $0x80;
	s14 =	simm.s32 $0x6400;
	s15 =	simm.s32 $0xA400  }
0x5: {  	s17 =	simm.s32 $0xE400;
	s19 =	simm.s32 $0x12400;
	s21 =	simm.s32 $0x16400  }
0x6: {  	s22 =	simm.s32 $0x1;
	s23 =	simm.s32 $0x2;
	s28 =	simm.s32 $0x6  }
0x7: {  	s29 =	simm.s32 $0x7;
	s1 =	sand.u32 $0x1, s1;
	s4 =	sshll.u32 s8, $0x1  }
0x8: {  	s30 =	simm.s32 $0x8;
	s25 =	smul.u32 $0xC8000, s8;
	s4 =	sor.u32 s1, s4  }
0x9: {  	s31 =	simm.s32 $0x9;
	[smem:$0x7FF] =	sst s3;
	s5 =	smul.u32 $0x6400, s4  }
0xa: {  	_ =	strace $0x80000047;
	s6 =	ssub.s32 $0x2, s1;
	s4 =	smul.u32 $0x320000, s4  }
0xb: {  	s1 =	smul.u32 $0x64000, s1;
	s7 =	sshrl.u32 s6, $0x1;
	s5 =	sshrl.u32 s5, $0x3  }
0xc: {  	s10 =	ssub.s32 s6, s7;
	s24 =	sshrl.u32 s4, $0x3;
	s5 =	sadd.s32 s5, s0  }
0xd: {  	s10 =	smax.u32 s10, $0x1;
	s0 =	sadd.s32 $0x19800, s0;
	s26 =	sadd.s32 $0x800, s5  }
0xe: {  	s9 =	sadd.s32 s0, s24;
	s0 =	sadd.s32 s25, s0;
	s24 =	simm.s32 $0x3  }
0xf: {  	s25 =	simm.s32 $0x4;
	[dreg:$0x3] =	wrdreg s26;
	s5 =	sadd.s32 $0x61800, s9  }
0x10: {  	s6 =	sadd.s32 $0x62000, s9;
	s7 =	sadd.s32 $0x62800, s9;
	s8 =	sadd.s32 $0x63000, s9  }
0x11: {  	s0 =	sadd.s32 s1, s0;
	s9 =	sadd.s32 $0x63800, s9;
	s26 =	simm.s32 $0x5  }
0x12: {  	s1 =	simm.s32 $0xA;
	s11 =	sadd.s32 $0x2000, s0;
	s0 =	simm.s32 $0x0  }
.LBB2_1:
0x13: {  	s4 =	rddreg [dreg:$0x3]  }
0x14: {  	[tilespmem:s3], [sflag:$0xB] =	stream.linear.gather [hbm4b:s4+s3], $0x6400, $0x38;
	[tilespmem:$0x1A400] =	vst v63  }
0x15: {  	_ =	swait.ge [sflag:s12], $0x6400  }
0x16: {  	[sflag:s12] =	ssyncset.done $0x0  }
0x17: {  	[sflag:s12] =	ssyncadd.s32 $0xFFFF9C00  }
0x18: {  	[tilespmem:s14], [sflag:$0x1] =	stream.indirect.gather [hbm4b:s2+s13], $0x80, s3, s13, $0xb8;
	[tilespmem:$0x1A400] =	vst v63  }
0x19: {  	_ = 	snop  }
0x1a: {  	[tilespmem:s15], [sflag:$0x2] =	stream.indirect.gather [hbm4b:s2+s13], $0x80, s13, s13, $0xb8;
	[tilespmem:$0x1A400] =	vst v63  }
0x1b: {  	s20 =	simm.s32 $0x100  }
0x1c: {  	[tilespmem:s17], [sflag:$0x3] =	stream.indirect.gather [hbm4b:s2+s13], $0x80, s20, s13, $0xb8;
	[tilespmem:$0x1A400] =	vst v63  }
0x1d: {  	s16 =	simm.s32 $0x180  }
0x1e: {  	[tilespmem:s19], [sflag:$0x4] =	stream.indirect.gather [hbm4b:s2+s13], $0x80, s16, s13, $0xb8;
	[tilespmem:$0x1A400] =	vst v63  }
0x1f: {  	s18 =	simm.s32 $0x200  }
0x20: {  	[tilespmem:s21], [sflag:$0x5] =	stream.indirect.gather [hbm4b:s2+s13], $0x80, s18, s13, $0xb8;
	[tilespmem:$0x1A400] =	vst v63  }
0x21: {  	_ =	swait.ge [sflag:s22], $0x4000  }
0x22: {  	[sflag:s22] =	ssyncset.done $0x0  }
0x23: {  	s16 =	sadd.s32 $0xFFFFE000, s11;
	[sflag:s22] =	ssyncadd.s32 $0xFFFFC000  }
0x24: {  	[hbm4b:s16+s3] =	stream.linear.scatter [tilespmem:s14], [sflag:$0x6], $0x4000, $0x38;
	[tilespmem:$0x1A400] =	vst v63  }
0x25: {  	_ =	swait.ge [sflag:s23], $0x4000  }
0x26: {  	[sflag:s23] =	ssyncset.done $0x0  }
0x27: {  	s20 =	sadd.s32 $0xFFFFE800, s11;
	[sflag:s23] =	ssyncadd.s32 $0xFFFFC000  }
0x28: {  	[hbm4b:s20+s3] =	stream.linear.scatter [tilespmem:s15], [sflag:$0x7], $0x4000, $0x38;
	[tilespmem:$0x1A400] =	vst v63  }
0x29: {  	_ =	swait.ge [sflag:s24], $0x4000  }
0x2a: {  	[sflag:s24] =	ssyncset.done $0x0  }
0x2b: {  	s4 =	sadd.s32 $0xFFFFF000, s11;
	[sflag:s24] =	ssyncadd.s32 $0xFFFFC000  }
0x2c: {  	[hbm4b:s4+s3] =	stream.linear.scatter [tilespmem:s17], [sflag:$0x8], $0x4000, $0x38;
	[tilespmem:$0x1A400] =	vst v63  }
0x2d: {  	_ =	swait.ge [sflag:s25], $0x4000  }
0x2e: {  	[sflag:s25] =	ssyncset.done $0x0  }
0x2f: {  	s18 =	sadd.s32 $0xFFFFF800, s11;
	[sflag:s25] =	ssyncadd.s32 $0xFFFFC000  }
0x30: {  	[hbm4b:s18+s3] =	stream.linear.scatter [tilespmem:s19], [sflag:$0x9], $0x4000, $0x38;
	[tilespmem:$0x1A400] =	vst v63  }
0x31: {  	_ =	swait.ge [sflag:s26], $0x4000  }
0x32: {  	[sflag:s26] =	ssyncset.done $0x0  }
0x33: {  	[sflag:s26] =	ssyncadd.s32 $0xFFFFC000  }
0x34: {  	[hbm4b:s11+s3] =	stream.linear.scatter [tilespmem:s21], [sflag:$0xA], $0x4000, $0x38;
	[tilespmem:$0x1A400] =	vst v63  }
0x35: {  	_ =	swait.ge [sflag:s28], $0x4000  }
0x36: {  	[sflag:s28] =	ssyncset.done $0x0  }
0x37: {  	s20 =	simm.s32 $0x280;
	[sflag:s28] =	ssyncadd.s32 $0xFFFFC000  }
0x38: {  	[tilespmem:s14], [sflag:$0x1] =	stream.indirect.gather [hbm4b:s2+s13], $0x80, s20, s13, $0xb8;
	[tilespmem:$0x1A400] =	vst v63  }
0x39: {  	_ =	swait.ge [sflag:s29], $0x4000  }
0x3a: {  	[sflag:s29] =	ssyncset.done $0x0  }
0x3b: {  	s4 =	simm.s32 $0x300;
	[sflag:s29] =	ssyncadd.s32 $0xFFFFC000  }
0x3c: {  	[tilespmem:s15], [sflag:$0x2] =	stream.indirect.gather [hbm4b:s2+s13], $0x80, s4, s13, $0xb8;
	[tilespmem:$0x1A400] =	vst v63  }
0x3d: {  	_ =	swait.ge [sflag:s30], $0x4000  }
0x3e: {  	[sflag:s30] =	ssyncset.done $0x0  }
0x3f: {  	s18 =	simm.s32 $0x380;
	[sflag:s30] =	ssyncadd.s32 $0xFFFFC000  }
0x40: {  	[tilespmem:s17], [sflag:$0x3] =	stream.indirect.gather [hbm4b:s2+s13], $0x80, s18, s13, $0xb8;
	[tilespmem:$0x1A400] =	vst v63  }
0x41: {  	_ =	swait.ge [sflag:s31], $0x4000  }
0x42: {  	[sflag:s31] =	ssyncset.done $0x0  }
0x43: {  	s20 =	simm.s32 $0x400;
	[sflag:s31] =	ssyncadd.s32 $0xFFFFC000  }
0x44: {  	[tilespmem:s19], [sflag:$0x4] =	stream.indirect.gather [hbm4b:s2+s13], $0x80, s20, s13, $0xb8;
	[tilespmem:$0x1A400] =	vst v63  }
0x45: {  	_ =	swait.ge [sflag:s1], $0x4000  }
0x46: {  	s16 =	simm.s32 $0xA00;
	[sflag:s1] =	ssyncset.done $0x0  }
0x47: {  	s18 =	sadd.s32 $0x2800, s11;
	s20 =	simm.s32 $0x480;
	[sflag:s1] =	ssyncadd.s32 $0xFFFFC000  }
.LBB2_2:
0x48: {  	[tilespmem:s21], [sflag:$0x5] =	stream.indirect.gather [hbm4b:s2+s13], $0x80, s20, s13, $0xb8;
	[tilespmem:$0x1A400] =	vst v63  }
0x49: {  	s20 =	smov.u32 s16  }
0x4a: {  	p0 =	sne.s32 s16, $0x17C00;
	s16 =	sadd.s32 $0xA00, s16;
	_ =	swait.ge [sflag:s22], $0x4000  }
0x4b: {  	[sflag:s22] =	ssyncset.done $0x0  }
0x4c: {  	s4 =	sadd.s32 $0xFFFFE000, s18;
	[sflag:s22] =	ssyncadd.s32 $0xFFFFC000  }
0x4d: {  	[hbm4b:s4+s3] =	stream.linear.scatter [tilespmem:s14], [sflag:$0x6], $0x4000, $0x38;
	[tilespmem:$0x1A400] =	vst v63  }
0x4e: {  	_ =	swait.ge [sflag:s23], $0x4000  }
0x4f: {  	[sflag:s23] =	ssyncset.done $0x0  }
0x50: {  	s4 =	sadd.s32 $0xFFFFE800, s18;
	[sflag:s23] =	ssyncadd.s32 $0xFFFFC000  }
0x51: {  	[hbm4b:s4+s3] =	stream.linear.scatter [tilespmem:s15], [sflag:$0x7], $0x4000, $0x38;
	[tilespmem:$0x1A400] =	vst v63  }
0x52: {  	_ =	swait.ge [sflag:s24], $0x4000  }
0x53: {  	[sflag:s24] =	ssyncset.done $0x0  }
0x54: {  	s4 =	sadd.s32 $0xFFFFF000, s18;
	[sflag:s24] =	ssyncadd.s32 $0xFFFFC000  }
0x55: {  	[hbm4b:s4+s3] =	stream.linear.scatter [tilespmem:s17], [sflag:$0x8], $0x4000, $0x38;
	[tilespmem:$0x1A400] =	vst v63  }
0x56: {  	_ =	swait.ge [sflag:s25], $0x4000  }
0x57: {  	[sflag:s25] =	ssyncset.done $0x0  }
0x58: {  	s4 =	sadd.s32 $0xFFFFF800, s18;
	[sflag:s25] =	ssyncadd.s32 $0xFFFFC000  }
0x59: {  	[hbm4b:s4+s3] =	stream.linear.scatter [tilespmem:s19], [sflag:$0x9], $0x4000, $0x38;
	[tilespmem:$0x1A400] =	vst v63  }
0x5a: {  	_ =	swait.ge [sflag:s26], $0x4000  }
0x5b: {  	[sflag:s26] =	ssyncset.done $0x0  }
0x5c: {  	[sflag:s26] =	ssyncadd.s32 $0xFFFFC000  }
0x5d: {  	[hbm4b:s18+s3] =	stream.linear.scatter [tilespmem:s21], [sflag:$0xA], $0x4000, $0x38;
	[tilespmem:$0x1A400] =	vst v63  }
0x5e: {  	_ =	swait.ge [sflag:s28], $0x4000  }
0x5f: {  	s4 =	sshra.s32 s20, $0x2;
	[sflag:s28] =	ssyncset.done $0x0  }
0x60: {  	s20 =	sadd.s32 $0x280, s4;
	[sflag:s28] =	ssyncadd.s32 $0xFFFFC000  }
0x61: {  	[tilespmem:s14], [sflag:$0x1] =	stream.indirect.gather [hbm4b:s2+s13], $0x80, s20, s13, $0xb8;
	[tilespmem:$0x1A400] =	vst v63  }
0x62: {  	_ =	swait.ge [sflag:s29], $0x4000  }
0x63: {  	[sflag:s29] =	ssyncset.done $0x0  }
0x64: {  	s20 =	sadd.s32 $0x300, s4;
	[sflag:s29] =	ssyncadd.s32 $0xFFFFC000  }
0x65: {  	[tilespmem:s15], [sflag:$0x2] =	stream.indirect.gather [hbm4b:s2+s13], $0x80, s20, s13, $0xb8;
	[tilespmem:$0x1A400] =	vst v63  }
0x66: {  	_ =	swait.ge [sflag:s30], $0x4000  }
0x67: {  	[sflag:s30] =	ssyncset.done $0x0  }
0x68: {  	s20 =	sadd.s32 $0x380, s4;
	[sflag:s30] =	ssyncadd.s32 $0xFFFFC000  }
0x69: {  	[tilespmem:s17], [sflag:$0x3] =	stream.indirect.gather [hbm4b:s2+s13], $0x80, s20, s13, $0xb8;
	[tilespmem:$0x1A400] =	vst v63  }
0x6a: {  	_ =	swait.ge [sflag:s31], $0x4000  }
0x6b: {  	[sflag:s31] =	ssyncset.done $0x0  }
.Ltmp0:
0x6c: {  	s20 =	sadd.s32 $0x400, s4;
	[sflag:s31] =	ssyncadd.s32 $0xFFFFC000;
	(pc) =	sbr.rel @p0 .LBB2_2-.Ltmp0, $4  }
0x6d: {  	[tilespmem:s19], [sflag:$0x4] =	stream.indirect.gather [hbm4b:s2+s13], $0x80, s20, s13, $0xb8;
	[tilespmem:$0x1A400] =	vst v63  }
0x6e: {  	_ =	swait.ge [sflag:s1], $0x4000  }
0x6f: {  	[sflag:s1] =	ssyncset.done $0x0  }
0x70: {  	s18 =	sadd.s32 $0x2800, s18;
	s20 =	sadd.s32 $0x480, s4;
	[sflag:s1] =	ssyncadd.s32 $0xFFFFC000  }
0x71: {  	[tilespmem:s21], [sflag:$0x5] =	stream.indirect.gather [hbm4b:s2+s13], $0x80, s20, s13, $0xb8;
	[tilespmem:$0x1A400] =	vst v63  }
0x72: {  	_ =	swait.ge [sflag:s22], $0x4000  }
0x73: {  	[sflag:s22] =	ssyncset.done $0x0  }
0x74: {  	[sflag:s22] =	ssyncadd.s32 $0xFFFFC000  }
0x75: {  	[hbm4b:s5+s3] =	stream.linear.scatter [tilespmem:s14], [sflag:$0x6], $0x4000, $0x38;
	[tilespmem:$0x1A400] =	vst v63  }
0x76: {  	_ =	swait.ge [sflag:s23], $0x4000  }
0x77: {  	[sflag:s23] =	ssyncset.done $0x0  }
0x78: {  	[sflag:s23] =	ssyncadd.s32 $0xFFFFC000  }
0x79: {  	[hbm4b:s6+s3] =	stream.linear.scatter [tilespmem:s15], [sflag:$0x7], $0x4000, $0x38;
	[tilespmem:$0x1A400] =	vst v63  }
0x7a: {  	_ =	swait.ge [sflag:s24], $0x4000  }
0x7b: {  	[sflag:s24] =	ssyncset.done $0x0  }
0x7c: {  	[sflag:s24] =	ssyncadd.s32 $0xFFFFC000  }
0x7d: {  	[hbm4b:s7+s3] =	stream.linear.scatter [tilespmem:s17], [sflag:$0x8], $0x4000, $0x38;
	[tilespmem:$0x1A400] =	vst v63  }
0x7e: {  	_ =	swait.ge [sflag:s25], $0x4000  }
0x7f: {  	[sflag:s25] =	ssyncset.done $0x0  }
0x80: {  	[sflag:s25] =	ssyncadd.s32 $0xFFFFC000  }
0x81: {  	[hbm4b:s8+s3] =	stream.linear.scatter [tilespmem:s19], [sflag:$0x9], $0x4000, $0x38;
	[tilespmem:$0x1A400] =	vst v63  }
0x82: {  	_ =	swait.ge [sflag:s26], $0x4000  }
0x83: {  	[sflag:s26] =	ssyncset.done $0x0  }
0x84: {  	[sflag:s26] =	ssyncadd.s32 $0xFFFFC000  }
0x85: {  	[hbm4b:s9+s3] =	stream.linear.scatter [tilespmem:s21], [sflag:$0xA], $0x4000, $0x38;
	[tilespmem:$0x1A400] =	vst v63  }
0x86: {  	_ =	swait.ge [sflag:s28], $0x4000  }
0x87: {  	[sflag:s28] =	ssyncset.done $0x0  }
0x88: {  	[sflag:s28] =	ssyncadd.s32 $0xFFFFC000  }
0x89: {  	_ =	swait.ge [sflag:s29], $0x4000  }
0x8a: {  	[sflag:s29] =	ssyncset.done $0x0  }
0x8b: {  	[sflag:s29] =	ssyncadd.s32 $0xFFFFC000  }
0x8c: {  	_ =	swait.ge [sflag:s30], $0x4000  }
0x8d: {  	[sflag:s30] =	ssyncset.done $0x0  }
0x8e: {  	s0 =	sadd.s32 $0x1, s0;
	[sflag:s30] =	ssyncadd.s32 $0xFFFFC000  }
0x8f: {  	p0 =	sne.s32 s0, s10;
	_ =	swait.ge [sflag:s31], $0x4000  }
.Ltmp1:
0x90: {  	[sflag:s31] =	ssyncset.done $0x0;
	(pc) =	sbr.rel @p0 .LBB2_1-.Ltmp1, $4  }
0x91: {  	[sflag:s31] =	ssyncadd.s32 $0xFFFFC000  }
0x92: {  	_ =	swait.ge [sflag:s1], $0x4000  }
0x93: {  	[sflag:s1] =	ssyncset.done $0x0  }
0x94: {  	[sflag:s1] =	ssyncadd.s32 $0xFFFFC000  }
0x95: {  	_ =	sfence.sel $0x180000  }
0x96: {  	[bflag:$0x0] =	sbarrier.arrive $0xFFFF  }
0x97: {  	_ =	strace $0x90000047  }
0x98: {  	s0 =	stileid.u32;
	[bflag:$0x2] =	sbarrier.arrive $0xFFFF  }
0x99: {  	p0 =	sne.s32 s0, $0x0;
	s0 =	rddreg [dreg:$0x2]  }
0x9a: {  	s0 =	sadd.s32 @!p0 $0x100000, s0  }
0x9b: {  	[sflag:s0] =	ssyncadd.tile.s32 @!p0 $0x1;
	_ =	shalt  }
.Lfunc_end2:
_tile_overlayer_lowered:
.L_overlay_start_2:
0x9c: {  	(tag) =	ssettag $0x2  }
0x9d: {  	s0 =	rddreg [dreg:$0x0];
	s2 =	stileid.u32  }
0x9e: {  	s1 =	rddreg [dreg:$0x1];
	p0 =	sne.s32 s2, $0x0  }
0x9f: {  	s3 =	rddreg [dreg:$0x2];
	[bflag:$0x3] =	sbarrier.arrive $0xFFFF;
	s2 =	simm.s32 @!p0 $0x1C0B  }
0xa0: {  	[timem:s3], [sflag:s2] =	dma.local @!p0 [hbm:s0], s1  }
0xa1: {  	s0 =	simm.s32 @!p0 $0xB  }
0xa2: {  	_ =	swait.ge @!p0 [sflag:s0], s1  }
0xa3: {  	s1 =	ssub.s32 @!p0 $0x0, s1;
	[sflag:s0] =	ssyncset.done @!p0 $0x0  }
0xa4: {  	[sflag:s0] =	ssyncadd.s32 @!p0 s1  }
0xa5: {  	[bflag:$0x3] =	sbarrier.arrive $0xFFFF  }
0xa6: {  	_ =	shalt  }

// kernel: sparse-core-data-format-call.cloned.1.call-start
scs
called_computation_lowered:
.L_overlay_start_0:
0x0: {  	s2 =	sld [smem:$0x3FD9]  }
0x1: {  	s3 =	sld [smem:$0x3FFE];
	_ =	sdelay $0x1  }
0x2: {  	s1 =	srdreg.scid  }
0x3: {  	s0 =	sand.u32 $0x1, s1  }
0x4: {  	s18 =	sshll.u32 s0, $0xA;
	s2 =	sadd.s32 s3, s2  }
0x5: {  	s2 =	sadd.s32 s2, s18  }
0x6: {  	[smem:$0x3FC6] =	sst s2  }
0x7: {  	_ = 	snop  }
0x8: {  	s2 =	sld [smem:$0x3FD0];
	(tm) =	ssettm $0x1  }
0x9: {  	s19 =	sld [smem:$0x3FFB];
	_ =	sdelay $0x3  }
0xa: {  	_ =	strace s19  }
0xb: {  	s3 =	sld [smem:$0x3FFC];
	_ =	sdelay $0x3  }
0xc: {  	_ =	strace s3  }
0xd: {  	s3 =	sld [smem:$0x3FFD];
	_ =	sdelay $0x3  }
0xe: {  	_ =	strace s3  }
0xf: {  	_ =	strace $0x8FFFFFFF  }
0x10: {  	s20 =	sld [smem:$0x3FDB];
	_ =	sdelay $0x1  }
0x11: {  	s4 =	simm.s32 $_scs_section_size  }
0x12: {  	s5 =	simm.s32 $_size__tile_overlayer_lowered;
	s6 =	simm.s32 $_tile_overlayer_lowered  }
0x13: {  	s23 =	simm.s32 $0x1BFF;
	s22 =	sshll.u32 s6, $0x1;
	s3 =	sadd.s32 s4, s20  }
0x14: {  	s7 =	simm.s32 $0x0;
	s21 =	sshll.u32 s5, $0x1;
	s5 =	sadd.s32 s22, s3  }
0x15: {  	[timem:s7], [sflag:s23] =	dma.local [hbm:s5], s21  }
0x16: {  	_ =	swait.ge [sflag:s23], s21  }
0x17: {  	s4 =	ssub.s32 $0x0, s21;
	[sflag:s23] =	ssyncset.done $0x0  }
0x18: {  	[sflag:s23] =	ssyncadd.s32 s4;
	_ =	sdelay $0x1  }
0x19: {  	s24 =	simm.s32 $0x1B8B  }
0x1a: {  	_ =	swait.ge [sflag:s24], $0x1  }
0x1b: {  	[sflag:s24] =	ssyncset.done $0x0  }
0x1c: {  	s26 =	simm.s32 $0x1B8E;
	s25 =	sld [smem:$0x3FFE];
	[sflag:s24] =	ssyncadd.s32 $0xFFFFFFFF  }
0x1d: {  	s27 =	simm.s32 $execute0_lowered;
	[smem:$0x3FD2] =	sst s26  }
0x1e: {  	s5 =	sshll.u32 s27, $0x1;
	_ =	strace $0x80000049;
	[dreg:$0x1] =	wrdreg $0xFFFFFFFF  }
0x1f: {  	s28 =	simm.s32 $_size_execute0_lowered;
	s3 =	sadd.s32 s3, s5;
	[dreg:$0x0] =	wrdreg $0x0  }
0x20: {  	s5 =	sshll.u32 s28, $0x1;
	[dreg:$0x2] =	wrdreg s3  }
0x21: {  	[dreg:$0x3] =	wrdreg s5  }
0x22: {  	[dreg:$0x4] =	wrdreg $0xC0  }
0x23: {  	_ =	task [dreg:s7], $0x5FFFF  }
0x24: {  	[dreg:$0x1] =	wrdreg $0xFFFFFFFF  }
0x25: {  	[dreg:$0x0] =	wrdreg $0x60  }
0x26: {  	[dreg:$0x2] =	wrdreg s25  }
0x27: {  	[dreg:$0x3] =	wrdreg s2  }
0x28: {  	[dreg:$0x4] =	wrdreg $0x9  }
0x29: {  	_ =	task.clear_ibuf [dreg:s7], $0x5FFFF;
	_ =	strace $0x90000049  }
0x2a: {  	s29 =	simm.s32 $0x9;
	_ =	strace $0x8000004B  }
0x2b: {  	_ =	swait.ge [sflag:s29], $0x1  }
0x2c: {  	[sflag:s29] =	ssyncadd.s32 $0xFFFFFFFF  }
0x2d: {  	_ =	strace $0x9000004B  }
0x2e: {  	_ =	sfence  }
0x2f: {  	s30 =	sld [smem:$0x0];
	_ =	sdelay $0x2  }
0x30: {  	s31 =	sshll.u32 s1, $0xD;
	s1 =	sshrl.u32 s1, $0x2  }
0x31: {  	s3 =	sand.u32 $0x4000, s31;
	s1 =	sadd.s32 s1, s30  }
0x32: {  	s0 =	sor.u32 s3, s0;
	s1 =	sshll.u32 s1, $0x11  }
0x33: {  	s0 =	sor.u32 s1, s0  }
0x34: {  	s0 =	sadd.s32 $0x8F2B, s0  }
0x35: {  	[sflag:s0] =	ssyncadd.remote.s32 $0x1  }
0x36: {  	_ =	sfence.sel $0xFFFF  }
0x37: {  	[dreg:$0x0] =	wrdreg $0xFFFFFFFF;
	(pc) =	sbr.abs _section_cstart, $3  }
0x38: {  	[dreg:$0x1] =	wrdreg $0xFFFFFFFF  }
0x39: {  	_ =	task.clear_ibuf [dreg:s7], $0x2FFFF;
	_ =	strace $0x9FFFFFFF  }
0x3a: {  	(tm) =	ssettm $0x7FFFFFFF  }
0x3b: {  	_ =	shalt  }
tec
execute0_lowered:
.L_overlay_start_1:
0x0: {  	(tag) =	ssettag $0x1  }
0x1: {  	s0 =	srdreg.scid  }
0x2: {  	s1 =	sshll.u32 s0, $0x4  }
0x3: {  	s6 =	rddreg [dreg:$0x0];
	s0 =	stileid.u32;
	s1 =	sand.u32 $0x10, s1  }
0x4: {  	s3 =	rddreg [dreg:$0x1];
	s1 =	sor.u32 s0, s1  }
0x5: {  	s5 =	simm.s32 $0x1;
	s31 =	simm.s32 $0x2;
	s2 =	sshll.u32 s1, $0x7  }
0x6: {  	s15 =	simm.s32 $0x0;
	s8 =	simm.s32 $0xC8000;
	s4 =	ssub.s32 $0x1000, s2  }
0x7: {  	s14 =	simm.s32 $0x0;
	s9 =	simm.s32 $0x0;
	s30 =	sand.u32 $0xF80, s4  }
0x8: {  	s10 =	simm.s32 $0x0;
	s11 =	simm.s32 $0x0;
	p0 =	sne.s32 s30, $0x0  }
.Ltmp0:
0x9: {  	s7 =	sshrl.u32 s4, $0xC;
	s5 =	simm.s32 @!p0 $0x0;
	(pc) =	sbr.rel .LBB1_1-.Ltmp0, $4  }
0xa: {  	s13 =	simm.s32 $0x0;
	s1 =	rddreg [dreg:$0x2];
	s5 =	sadd.s32 s5, s7  }
0xb: {  	_ =	strace $0x8000004A;
	s4 =	simm.s32 $0x1;
	s5 =	smul.u32 $0xC8, s5  }
0xc: {  	s6 =	sadd.s32 $0x19800, s6;
	s12 =	smov.u32 s2;
	[sflag:s4] =	ssyncpa.u1 $0x0  }
0xd: {  	[sflag:s31] =	ssyncpa.u1 $0x0;
	p0 =	por $0x0, $0x0;
	s7 =	sor.u32 $0x1, s5  }
.LBB1_4:
0xe: {  	s20 =	sshra.s32 s20, $0x2;
	s27 =	sshll.u32 s9, $0xC  }
0xf: {  	s21 =	sand.u32 $0x78, s10;
	s22 =	sshll.u32 s10, $0x3;
	s24 =	sshll.u32 s9, $0x7  }
0x10: {  	p1 =	sgt.s32 s9, $0xC7;
	s30 =	sshra.s32 s9, $0x1F;
	s25 =	sshra.s32 s10, $0x1F  }
0x11: {  	s19 =	sadd.s32 s20, s19;
	s20 =	sand.u32 $0xFFFF8000, s27;
	s23 =	sand.u32 $0xFFFFFC00, s22  }
0x12: {  	v5 =	vld [tilespmem:s17+$0xFFFFFFD0];
	[tilespmem:s18+$0x2040 ss:$0x81] =	vst.msk $0xffff, v4;
	s22 =	sand.u32 $0xC00, s22;
	s28 =	sand.u32 $0x380, s24;
	s31 =	sand.u32 s30, s9  }
0x13: {  	v58 =	vld [tilespmem:s17+$0xFFFFFFE0];
	[tilespmem:s18+$0x2850 ss:$0x81] =	vst.msk $0xffff, v3;
	s24 =	smov.u32 s10;
	s25 =	sand.u32 s25, s10;
	s20 =	sadd.s32 s23, s20  }
0x14: {  	v59 =	vld [tilespmem:s17+$0xFFFFFFF0];
	[tilespmem:s18+$0x3060 ss:$0x81] =	vst.msk $0xffff, v2;
	s21 =	sor.u32 s21, s22;
	s22 =	smov.u32 s9;
	s20 =	sshrl.u32 s20, $0xC  }
0x15: {  	v60 =	vld [tilespmem:s17+$0x0];
	[tilespmem:s18+$0x0 ss:$0x81] =	vst.msk $0xffff, v1;
	s22 =	simm.s32 @!p1 $0xC7;
	p1 =	sgt.s32 s10, $0xF80;
	s29 =	smulhi.u32 $0x147AE15, s20  }
0x16: {  	v61 =	vld [tilespmem:s17+$0x10];
	[tilespmem:s19+$0x3870 ss:$0x81] =	vst.msk $0xffff, v0;
	s21 =	sor.u32 s28, s21;
	s18 =	ssub.s32 s22, s31;
	s24 =	simm.s32 @!p1 $0xF80  }
0x17: {  	v62 =	vld [tilespmem:s17+$0x20];
	[tilespmem:s19+$0x810 ss:$0x81] =	vst.msk $0xffff, v5;
	s22 =	ssub.s32 s24, s25;
	s26 =	ssub.s32 $0xC8, s18;
	s23 =	smul.u32 $0xC8, s29  }
0x18: {  	v63 =	vld [tilespmem:s17+$0xFFFFFFC0];
	[tilespmem:s19+$0x1020 ss:$0x81] =	vst.msk $0xffff, v58;
	s27 =	sadd.s32 $0xFFFFFF39, s18;
	s18 =	smul.u32 $0x64, s26;
	s28 =	sadd.s32 $0xFFFFF080, s22  }
0x19: {  	[tilespmem:s19+$0x1830 ss:$0x81] =	vst.msk $0xffff, v59;
	p1 =	sgt.s32 s27, $0x0;
	s17 =	ssub.s32 $0x1000, s22;
	p2 =	sgt.s32 s28, $0x7F  }
0x1a: {  	s30 =	sand.u32 $0x7, s10;
	[tilespmem:s19+$0x2040 ss:$0x81] =	vst.msk $0xffff, v60;
	s18 =	simm.s32 @p1 $0x0;
	s17 =	simm.s32 @p2 $0x0  }
0x1b: {  	[tilespmem:s19+$0x2850 ss:$0x81] =	vst.msk $0xffff, v61;
	s29 =	sshrl.u32 s21, $0x3;
	s20 =	ssub.s32 s20, s23;
	s17 =	smul.u32 s17, s18  }
0x1c: {  	[tilespmem:s19+$0x3060 ss:$0x81] =	vst.msk $0xffff, v62;
	s21 =	sshll.u32 s30, $0x12;
	s20 =	sshll.u32 s20, $0x9;
	s18 =	sadd.s32 s3, s29  }
0x1d: {  	[tilespmem:s19+$0x0 ss:$0x81] =	vst.msk $0xffff, v63;
	s31 =	sor.u32 $0x80, s21;
	s18 =	sadd.s32 s20, s18;
	s17 =	sand.u32 $0x3FFFFFFC, s17  }
0x1e: {  	[hbm4b:s18+s31] =	stream.strided.scatter [tilespmem:s16], [sflag:$0x2], s17, s8, s31, $0x20;
	[tilespmem:$0x10100] =	vst v63  }
.LBB1_5:
0x1f: {  	p1 =	slt.u32 s13, $0x2  }
0x20: {  	s17 =	smov.u32 s15;
	p2 =	sgt.s32 @!p1 s15, $0xC7;
	s16 =	sshra.s32 @!p1 s15, $0x1F  }
0x21: {  	p3 =	sgt.s32 @!p1 s14, $0xF80;
	s18 =	sshra.s32 @!p1 s14, $0x1F;
	p2 =	por !p2, p1  }
0x22: {  	s15 =	sand.u32 @!p1 s16, s15;
	p3 =	por !p3, p1;
	s16 =	smov.u32 s14  }
0x23: {  	s14 =	sand.u32 @!p1 s18, s14;
	s17 =	simm.s32 @p2 $0xC7;
	s16 =	simm.s32 @p3 $0xF80  }
0x24: {  	s18 =	smov.u32 s12;
	s15 =	ssub.s32 @!p1 s17, s15;
	s14 =	ssub.s32 @!p1 s16, s14  }
0x25: {  	s16 =	sadd.s32 @!p1 $0xFFFFFF39, s15;
	s15 =	ssub.s32 @!p1 $0xC8, s15;
	s17 =	sadd.s32 @!p1 $0xFFFFF080, s14  }
0x26: {  	p2 =	sgt.s32 @!p1 s16, $0x0;
	s15 =	smul.u32 @!p1 $0x64, s15;
	p3 =	sgt.s32 @!p1 s17, $0x7F  }
0x27: {  	s14 =	ssub.s32 @!p1 $0x1000, s14;
	p2 =	por !p2, p1;
	p3 =	por !p3, p1  }
0x28: {  	s16 =	sadd.s32 $0x1, s11;
	s15 =	simm.s32 @!p2 $0x0;
	s14 =	simm.s32 @!p3 $0x0  }
0x29: {  	p2 =	sgt.s32 s16, $0xC7;
	s14 =	smul.u32 @!p1 s14, s15;
	s15 =	sadd.s32 $0x1000, s12  }
0x2a: {  	s18 =	smov.u32 @p2 s15  }
0x2b: {  	s16 =	simm.s32 @p2 $0x0;
	p2 =	sgt.s32 s18, $0xFFF  }
0x2c: {  	s18 =	smov.u32 @p2 s2;
	p2 =	sne.s32 s13, s7  }
.Ltmp1:
0x2d: {  	p0 =	por !p0, !p0;
	s17 =	simm.s32 @!p1 $0x2;
	(pc) =	sbr.rel @!p2 .LBB1_6-.Ltmp1, $4  }
0x2e: {  	s15 =	smov.u32 s9;
	s9 =	smov.u32 s11;
	s14 =	sand.u32 @!p1 $0x3FFFFFFC, s14  }
0x2f: {  	s11 =	smov.u32 s16;
	_ =	swait.ge @!p1 [sflag:s17], s14;
	s19 =	ssub.s32 @!p1 $0x0, s14  }
0x30: {  	s14 =	smov.u32 s10;
	s13 =	sadd.s32 $0x1, s13;
	[sflag:s17] =	ssyncset.done @!p1 $0x0  }
0x31: {  	s10 =	smov.u32 s12;
	s12 =	smov.u32 s18;
	[sflag:s17] =	ssyncadd.s32 @!p1 s19  }
.LBB1_1:
0x32: {  	p1 =	sge.u32 s13, s5  }
0x33: {  	s16 =	sand.u32 @!p1 $0x1FFFFFF, s11  }
0x34: {  	s17 =	smulhi.u32 @!p1 $0x147AE15, s16;
	_ =	sdelay $0x1  }
0x35: {  	s17 =	smul.u32 @!p1 $0xC8, s17  }
0x36: {  	s18 =	sxor.u32 @!p1 $0xFFFFFFFF, s13;
	s19 =	smul.u32 @!p1 $0xC80, s12  }
0x37: {  	s31 =	sadd.s32 $0xFFFFFFFF, s13;
	s18 =	sshll.u32 @!p1 s18, $0xE;
	s16 =	ssub.s32 @!p1 s16, s17  }
0x38: {  	s17 =	sand.u32 @!p1 $0x4000, s18;
	s18 =	sadd.s32 @!p1 s6, s19;
	s16 =	sshll.u32 @!p1 s16, $0x4  }
0x39: {  	s19 =	simm.s32 @!p1 $0x6400;
	s16 =	sadd.s32 @!p1 s16, s18;
	s18 =	simm.s32 @!p1 $0x80  }
0x3a: {  	[tilespmem:s17], [sflag:$0x1] =	stream.strided.gather @!p1 [hbm4b:s16+s18], $0x4000, s19, s18, $0x38;
	[tilespmem:$0x10100] =	vst v63  }
0x3b: {  	p1 =	sge.u32 s31, s5  }
.Ltmp2:
0x3c: {  	_ = 	snop;
	(pc) =	sbr.rel @p1 .LBB1_5-.Ltmp2, $1  }
0x3d: {  	_ =	sdelay $0x3  }
0x3e: {  	s16 =	simm.s32 $0x1  }
0x3f: {  	_ =	swait.ge [sflag:s4], $0x4000;
	s16 =	simm.s32 @!p0 $0x0  }
0x40: {  	[sflag:s4] =	ssyncset.done $0x0;
	s17 =	sshll.u32 s16, $0xE  }
0x41: {  	[sflag:s4] =	ssyncadd.s32 $0xFFFFC000;
	s17 =	sor.u32 $0x40, s17  }
0x42: {  	s16 =	smul.u32 $0x10200, s16;
	v0 =	vld [tilespmem:s17+$0x30]  }
0x43: {  	v1 =	vld [tilespmem:s17+$0xFFFFFFD0]  }
0x44: {  	s16 =	sshrl.u32 s16, $0x2;
	v5 =	vld [tilespmem:s17+$0xFFFFFFE0]  }
0x45: {  	v6 =	vld [tilespmem:s17+$0xFFFFFFF0];
	s19 =	sor.u32 $0x8000, s16  }
0x46: {  	s31 =	sand.u32 $0x1, s13;
	v4 =	vld [tilespmem:s17+$0x0];
	s18 =	sadd.s32 $0x0, s19  }
0x47: {  	v3 =	vld [tilespmem:s17+$0x10];
	s16 =	smul.u32 $0x10200, s31;
	[tilespmem:s18+$0x3870 ss:$0x81] =	vst.msk $0xffff, v0  }
0x48: {  	v2 =	vld [tilespmem:s17+$0x20];
	[tilespmem:s18+$0x810 ss:$0x81] =	vst.msk $0xffff, v1  }
0x49: {  	s16 =	sshrl.u32 s16, $0x2;
	v1 =	vld [tilespmem:s17+$0xFFFFFFC0];
	[tilespmem:s18+$0x1020 ss:$0x81] =	vst.msk $0xffff, v5;
	s17 =	sadd.s32 $0x80, s17  }
0x4a: {  	s20 =	simm.s32 $0x4;
	s21 =	simm.s32 $0x8;
	s16 =	sor.u32 $0x8000, s16;
	[tilespmem:s18+$0x1830 ss:$0x81] =	vst.msk $0xffff, v6;
	v0 =	vld [tilespmem:s17+$0x30]  }
.LBB1_3:
0x4b: {  	p1 =	sne.s32 s21, $0x1FC;
	v5 =	vld [tilespmem:s17+$0xFFFFFFD0];
	[tilespmem:s18+$0x2040 ss:$0x81] =	vst.msk $0xffff, v4  }
0x4c: {  	v6 =	vld [tilespmem:s17+$0xFFFFFFE0];
	[tilespmem:s18+$0x2850 ss:$0x81] =	vst.msk $0xffff, v3  }
0x4d: {  	s22 =	sshra.s32 s20, $0x2;
	s20 =	smov.u32 s21;
	v7 =	vld [tilespmem:s17+$0xFFFFFFF0];
	[tilespmem:s18+$0x3060 ss:$0x81] =	vst.msk $0xffff, v2  }
.Ltmp3:
0x4e: {  	v4 =	vld [tilespmem:s17+$0x0];
	[tilespmem:s18+$0x0 ss:$0x81] =	vst.msk $0xffff, v1;
	s18 =	sadd.s32 s22, s19;
	(pc) =	sbr.rel @p1 .LBB1_3-.Ltmp3, $4  }
0x4f: {  	v3 =	vld [tilespmem:s17+$0x10];
	[tilespmem:s18+$0x3870 ss:$0x81] =	vst.msk $0xffff, v0  }
0x50: {  	[tilespmem:s18+$0x810 ss:$0x81] =	vst.msk $0xffff, v5;
	v2 =	vld [tilespmem:s17+$0x20]  }
0x51: {  	v1 =	vld [tilespmem:s17+$0xFFFFFFC0];
	[tilespmem:s18+$0x1020 ss:$0x81] =	vst.msk $0xffff, v6;
	s17 =	sadd.s32 $0x80, s17  }
0x52: {  	s21 =	sadd.s32 $0x4, s21;
	v0 =	vld [tilespmem:s17+$0x30];
	[tilespmem:s18+$0x1830 ss:$0x81] =	vst.msk $0xffff, v7  }
.Ltmp4:
0x53: {  	_ = 	snop;
	(pc) =	sbr.rel .LBB1_4-.Ltmp4, $1  }
0x54: {  	_ =	sdelay $0x3  }
.LBB1_6:
0x55: {  	_ =	sfence.sel $0x180000  }
0x56: {  	s2 =	simm.s32 $0x1;
	[bflag:$0x0] =	sbarrier.arrive $0xFFFF  }
0x57: {  	s31 =	simm.s32 $0x2;
	[sflag:s2] =	ssyncpa.u1 $0x1  }
0x58: {  	[sflag:s31] =	ssyncpa.u1 $0x1  }
0x59: {  	p0 =	sne.s32 s0, $0x0;
	_ =	strace $0x9000004A  }
0x5a: {  	s0 =	sadd.s32 @!p0 $0x100000, s1;
	[bflag:$0x2] =	sbarrier.arrive $0xFFFF  }
0x5b: {  	[sflag:s0] =	ssyncadd.tile.s32 @!p0 $0x1;
	_ =	shalt  }
.Lfunc_end1:
_tile_overlayer_lowered:
.L_overlay_start_2:
0x5c: {  	(tag) =	ssettag $0x2  }
0x5d: {  	s0 =	rddreg [dreg:$0x0];
	s2 =	stileid.u32  }
0x5e: {  	s1 =	rddreg [dreg:$0x1];
	p0 =	sne.s32 s2, $0x0  }
0x5f: {  	s3 =	rddreg [dreg:$0x2];
	[bflag:$0x3] =	sbarrier.arrive $0xFFFF;
	s2 =	simm.s32 @!p0 $0x1C01  }
0x60: {  	[timem:s3], [sflag:s2] =	dma.local @!p0 [hbm:s0], s1  }
0x61: {  	s0 =	simm.s32 @!p0 $0x1  }
0x62: {  	_ =	swait.ge @!p0 [sflag:s0], s1  }
0x63: {  	s1 =	ssub.s32 @!p0 $0x0, s1;
	[sflag:s0] =	ssyncset.done @!p0 $0x0  }
0x64: {  	[sflag:s0] =	ssyncadd.s32 @!p0 s1  }
0x65: {  	[bflag:$0x3] =	sbarrier.arrive $0xFFFF  }
0x66: {  	_ =	shalt  }

</sc_bundles>
